<compile_context>
chip_gen: v7x
topology: tpu7x:2x2x1
jax: 0.10.2.dev20260603
libtpu: 0.0.44.dev20260713+nightly
codegen_flags: <defaults>
</compile_context>

<pallas_src>
import functools
import math

import jax
import jax.numpy as jnp
from jax import lax
from jax.experimental import pallas as pl
from jax.experimental.pallas import tpu as pltpu
from jax.experimental.pallas import tpu_sc as plsc

B, C, N, K = 2, 128, 10000, 16
DIM_L = 128
F = DIM_L // 2
CP = 16
NK = N * K

NC, NS = 2, 16
NW = NC * NS
ROWS = B * NK
RPW = ROWS // NW
CH = 200
NCHUNK = RPW // CH
NSUP = NCHUNK // 2

TN = 400
TNK = TN * K

TRIG_G = 10

def _unpack(words_i32):
    u = lax.bitcast_convert_type(words_i32, jnp.uint32)
    lo = lax.bitcast_convert_type(u << 16, jnp.float32)
    hi = lax.bitcast_convert_type((u >> 16) << 16, jnp.float32)
    return lo, hi


def _pack_body(feats, cpad, Bg, packed):
    p = jnp.dot(cpad[...], Bg[...], preferred_element_type=jnp.float32)
    ang = (2.0 * math.pi) * p
    trig = jnp.concatenate([jnp.sin(ang), jnp.cos(ang)], axis=-1)
    tb = trig.astype(jnp.bfloat16).astype(jnp.float32)
    fb = feats[...].astype(jnp.bfloat16).astype(jnp.float32)
    tw = (lax.bitcast_convert_type(tb, jnp.uint32) >> 16) << 16
    fw = lax.bitcast_convert_type(fb, jnp.uint32) >> 16
    packed[...] = lax.bitcast_convert_type(tw | fw, jnp.int32)


def _pack_table(xsT2d, cpad2d, Bg):
    rows = B * N // TRIG_G
    return pl.pallas_call(
        _pack_body,
        grid=(TRIG_G,),
        in_specs=[
            pl.BlockSpec((rows, C), lambda i: (i, 0)),
            pl.BlockSpec((rows, CP), lambda i: (i, 0)),
            pl.BlockSpec((CP, F), lambda i: (0, 0)),
        ],
        out_specs=pl.BlockSpec((rows, DIM_L), lambda i: (i, 0)),
        out_shape=jax.ShapeDtypeStruct((B * N, DIM_L), jnp.int32),
    )(xsT2d, cpad2d, Bg)


RPW2 = NK // NW
NCHUNK2 = RPW2 // CH


def _sc_gather(table, idx_b):
    mesh = plsc.VectorSubcoreMesh(core_axis_name="c", subcore_axis_name="s")

    @functools.partial(
        pl.kernel,
        out_type=jax.ShapeDtypeStruct((NK, DIM_L), jnp.int32),
        mesh=mesh,
        compiler_params=pltpu.CompilerParams(use_tc_tiling_on_sc=False),
        scratch_types=[
            pltpu.VMEM((CH,), jnp.int32),
            pltpu.VMEM((CH,), jnp.int32),
            pltpu.VMEM((CH, DIM_L), jnp.int32),
            pltpu.VMEM((CH, DIM_L), jnp.int32),
            pltpu.SemaphoreType.DMA,
            pltpu.SemaphoreType.DMA,
        ],
    )
    def k(tbl_hbm, idx_hbm, out, idx0, idx1, r0, r1, s0, s1):
        wid = lax.axis_index("s") * NC + lax.axis_index("c")
        base = wid * RPW2

        def fire(j, idx_v, r, s):
            pltpu.sync_copy(idx_hbm.at[pl.ds(base + j * CH, CH)], idx_v)
            pltpu.async_copy(tbl_hbm.at[idx_v], r, s)

        def drain_write(j, idx_v, r, s):
            pltpu.make_async_copy(tbl_hbm.at[idx_v], r, s).wait()
            pltpu.sync_copy(r, out.at[pl.ds(base + j * CH, CH)])

        fire(0, idx0, r0, s0)

        def sup(s, _):
            fire(2 * s + 1, idx1, r1, s1)
            drain_write(2 * s, idx0, r0, s0)
            fire(2 * s + 2, idx0, r0, s0)
            drain_write(2 * s + 1, idx1, r1, s1)
            return _

        lax.fori_loop(0, NCHUNK2 // 2, sup, None)
        drain_write(NCHUNK2 - 1, idx0, r0, s0)

    return k(table, idx_b)


def _tc_body(gw, cw, W1T, b1, W2T, b2, WqT, bq, WkT, bk, WvT, bv, WoT, bo, out):
    fg, tg = _unpack(gw[...])
    xc, ct = _unpack(cw[...])

    ctr = jnp.roll(ct, F, axis=-1)
    tg3 = tg.reshape(TN, K, DIM_L)
    p1 = tg3 * ctr[:, None, :]
    p2 = tg3 * ct[:, None, :]
    p1s = jnp.roll(p1, F, axis=-1)
    p2s = jnp.roll(p2, F, axis=-1)
    lane = lax.broadcasted_iota(jnp.int32, (TN, K, DIM_L), 2)
    ef3 = jnp.where(lane < F, p1 - p1s, p2 + p2s)
    ef = ef3.reshape(TNK, DIM_L).astype(jnp.bfloat16)

    h = jnp.maximum(jnp.dot(ef, W1T[...],
                            preferred_element_type=jnp.float32) + b1[...], 0.0)
    eg = jnp.dot(h.astype(jnp.bfloat16), W2T[...],
                 preferred_element_type=jnp.float32) + b2[...]

    kv = (fg + eg).astype(jnp.bfloat16)
    km = jnp.dot(kv, WkT[...], preferred_element_type=jnp.float32) + bk[...]
    vm = jnp.dot(kv, WvT[...], preferred_element_type=jnp.float32) + bv[...]
    q = jnp.dot(xc.astype(jnp.bfloat16), WqT[...],
                preferred_element_type=jnp.float32) + bq[...]

    logits = jnp.sum(q[:, None, :] * km.reshape(TN, K, C), axis=-1)
    m = jnp.max(logits, axis=-1, keepdims=True)
    e = jnp.exp(logits - m)
    inv = 1.0 / jnp.sum(e, axis=-1, keepdims=True)

    o = jnp.sum(e[:, :, None] * vm.reshape(TN, K, C), axis=1) * inv
    out[...] = jnp.dot(o.astype(jnp.bfloat16), WoT[...],
                       preferred_element_type=jnp.float32) + bo[...]


def _tc_attend(packed_g, packed_c, W1T, b1, W2T, b2,
               WqT, bq, WkT, bk, WvT, bv, WoT, bo):
    full = lambda *shape: pl.BlockSpec(shape, lambda t: (0,) * len(shape))
    return pl.pallas_call(
        _tc_body,
        grid=(N // TN,),
        in_specs=[
            pl.BlockSpec((TNK, DIM_L), lambda t: (t, 0)),
            pl.BlockSpec((TN, DIM_L), lambda t: (t, 0)),
            full(DIM_L, DIM_L // 4),
            full(1, DIM_L // 4),
            full(DIM_L // 4, C),
            full(1, C),
            full(C, C), full(1, C),
            full(C, C), full(1, C),
            full(C, C), full(1, C),
            full(C, C), full(1, C),
        ],
        out_specs=pl.BlockSpec((TN, C), lambda t: (t, 0)),
        out_shape=jax.ShapeDtypeStruct((N, C), jnp.float32),
    )(packed_g, packed_c, W1T, b1, W2T, b2,
      WqT, bq, WkT, bk, WvT, bv, WoT, bo)


def kernel(x, coords, idx, B_gauss, W1, b1, W2, b2, Wq, bq, Wk, bk, Wv, bv, Wo, bo):
    xsT = jnp.transpose(x[..., 0], (0, 2, 1))
    cpad2d = jnp.concatenate(
        [coords, jnp.zeros((B, N, CP - 4), jnp.float32)],
        axis=-1).reshape(B * N, CP)
    Bg = jnp.concatenate(
        [B_gauss, jnp.zeros((CP - 4, F), jnp.float32)], axis=0)
    idx_flat = (idx.astype(jnp.int32)
                + (jnp.arange(B, dtype=jnp.int32) * N)[:, None, None]
                ).reshape(ROWS)

    packed = _pack_table(xsT.reshape(B * N, C), cpad2d, Bg)
    packed3 = packed.reshape(B, N, DIM_L)
    idx2d = idx_flat.reshape(B, NK)

    bf = jnp.bfloat16
    weights = (
        W1.T.astype(bf), b1.reshape(1, -1), W2.T.astype(bf), b2.reshape(1, -1),
        (Wq.T / math.sqrt(C)).astype(bf), bq.reshape(1, -1) / math.sqrt(C),
        Wk.T.astype(bf), bk.reshape(1, -1),
        Wv.T.astype(bf), bv.reshape(1, -1), Wo.T.astype(bf), bo.reshape(1, -1))

    out_nc = jnp.stack([
        _tc_attend(_sc_gather(packed, idx2d[b]), packed3[b], *weights)
        for b in range(B)])

    return jnp.transpose(out_nc, (0, 2, 1))[..., None]

# --- scband reference (transcript-rebuilt; emitter-appended) ---
"""Pipeline reference for scband-lsga-32590211842139 (READ-ONLY COPY).

The authoritative reference and input builder live on the scoring server;
editing this copy changes nothing except your own understanding.
"""

import jax, jax.numpy as jnp
import numpy as np
import math

B, C, N, K = 2, 128, 10000, 16
DIM_L = 128
R = 4

def setup_inputs(seed: int = 0) -> dict:
    key = jax.random.key(seed)
    ks = jax.random.split(key, 16)
    x = jax.random.normal(ks[0], (B, C, N, 1), dtype=jnp.float32)
    coords = jax.random.normal(ks[1], (B, N, 4), dtype=jnp.float32)
    idx = jax.random.randint(ks[2], (B, N, K), 0, N, dtype=jnp.int64)
    B_gauss = jax.random.normal(ks[3], (4, DIM_L // 2), dtype=jnp.float32)
    W1 = jax.random.normal(ks[4], (DIM_L // R, DIM_L), dtype=jnp.float32) * 0.05
    b1 = jnp.zeros((DIM_L // R,), dtype=jnp.float32)
    W2 = jax.random.normal(ks[5], (C, DIM_L // R), dtype=jnp.float32) * 0.05
    b2 = jnp.zeros((C,), dtype=jnp.float32)
    Wq = jax.random.normal(ks[6], (C, C), dtype=jnp.float32) * 0.05
    bq = jnp.zeros((C,), dtype=jnp.float32)
    Wk = jax.random.normal(ks[7], (C, C), dtype=jnp.float32) * 0.05
    bk = jnp.zeros((C,), dtype=jnp.float32)
    Wv = jax.random.normal(ks[8], (C, C), dtype=jnp.float32) * 0.05
    bv = jnp.zeros((C,), dtype=jnp.float32)
    Wo = jax.random.normal(ks[9], (C, C), dtype=jnp.float32) * 0.05
    bo = jnp.zeros((C,), dtype=jnp.float32)
    return {"x": x, "coords": coords, "idx": idx, "B_gauss": B_gauss,
            "W1": W1, "b1": b1, "W2": W2, "b2": b2,
            "Wq": Wq, "bq": bq, "Wk": Wk, "bk": bk,
            "Wv": Wv, "bv": bv, "Wo": Wo, "bo": bo}

def reference(x, coords, idx, B_gauss, W1, b1, W2, b2, Wq, bq, Wk, bk, Wv, bv, Wo, bo):
    Bsz, Cc, Nn, _ = x.shape
    xs = x[..., 0]  # [B, C, N]
    # neighbor coord gather: coords[b, idx[b], :] -> [B, N, k, 4]
    neighbor_coords = jax.vmap(lambda c, i: c[i])(coords, idx)
    center_coords = coords[:, :, None, :]
    delta_p = neighbor_coords - center_coords  # [B, N, k, 4]
    projected = jnp.einsum('bnkd,df->bnkf', delta_p, B_gauss)  # [B, N, k, dim_L/2]
    E_freq = jnp.concatenate([jnp.sin(2 * math.pi * projected), jnp.cos(2 * math.pi * projected)], axis=-1)
    h = jnp.maximum(E_freq @ W1.T + b1, 0.0)
    E_geo = h @ W2.T + b2  # [B, N, k, C]
    E_geo = jnp.transpose(E_geo, (0, 3, 1, 2))  # [B, C, N, k]
    # neighbor feature gather: x[b, :, idx[b]] -> [B, C, N, k]
    neighbor_feats = jax.vmap(lambda xb, ib: xb[:, ib])(xs, idx)
    Q = jnp.einsum('oc,bcn->bon', Wq, xs) + bq[None, :, None]  # [B, C, N]
    Q = Q[..., None]  # [B, C, N, 1]
    KV_in = neighbor_feats + E_geo
    Kmat = jnp.einsum('oc,bcnk->bonk', Wk, KV_in) + bk[None, :, None, None]
    Vmat = jnp.einsum('oc,bcnk->bonk', Wv, KV_in) + bv[None, :, None, None]
    attn = jnp.sum(Q * Kmat, axis=1, keepdims=True) / math.sqrt(Cc)  # [B, 1, N, k]
    attn = jax.nn.softmax(attn, axis=-1)
    out = jnp.sum(attn * Vmat, axis=-1, keepdims=True)  # [B, C, N, 1]
    out = jnp.einsum('oc,bcnl->bonl', Wo, out) + bo[None, :, None, None]
    return out

if __name__ == "__main__":
    import jax
    _d = setup_inputs()
    print(jax.jit(kernel)(*tuple(_d.values())))

</pallas_src>

<mosaic_0001>
#map = affine_map<(d0, d1) -> (0, 0)>
#map1 = affine_map<(d0, d1) -> (0)>
module attributes {stable_mosaic.version = 14 : i64} {
  func.func @k(%arg0: i32, %arg1: i32, %arg2: memref<20000x128xi32, #tpu.memory_space<hbm>>, %arg3: memref<160000xi32, #tpu.memory_space<hbm>>, %arg4: memref<160000x128xi32, #tpu.memory_space<hbm>>, %arg5: memref<200xi32, #tpu.memory_space<vmem>>, %arg6: memref<200xi32, #tpu.memory_space<vmem>>, %arg7: memref<200x128xi32, #tpu.memory_space<vmem>>, %arg8: memref<200x128xi32, #tpu.memory_space<vmem>>, %arg9: memref<!tpu.dma_semaphore, #tpu.memory_space<semaphore_mem>>, %arg10: memref<!tpu.dma_semaphore, #tpu.memory_space<semaphore_mem>>) attributes {dimension_semantics = [#tpu.dimension_semantics<core_parallel>, #tpu.dimension_semantics<subcore_parallel>], iteration_bounds = array<i64: 2, 16>, scalar_prefetch = 0 : i64, scratch_operands = 6 : i64, tpu.core_type = #tpu.core_type<sc_vector_subcore>, window_params = [{transform_indices = #map}, {transform_indices = #map1}, {transform_indices = #map}]} {
    %mul3A = arith.constant 2 : i32
    %mul3A_0 = arith.muli %arg1, %mul3A : i32
    %add3A = arith.addi %mul3A_0, %arg0 : i32
    %mul3A_1 = arith.constant 5000 : i32
    %mul3A_2 = arith.muli %add3A, %mul3A_1 : i32
    %add3A_3 = arith.constant 0 : i32
    %add3A_4 = arith.addi %mul3A_2, %add3A_3 : i32
    "tpu.region"() ({
      %run_scoped3A = tpu.sem_alloc : memref<!tpu.dma_semaphore, #tpu.memory_space<semaphore_mem>>
      %dma_start3A_15 = tpu.memref_slice %arg3[%add3A_4] : memref<160000xi32, #tpu.memory_space<hbm>> -> memref<200xi32, #tpu.memory_space<hbm>>
      %dma_start3A_16 = tpu.memref_slice %arg3[%add3A_4] : memref<160000xi32, #tpu.memory_space<hbm>> -> memref<200xi32, #tpu.memory_space<hbm>>
      tpu.enqueue_dma source(%dma_start3A_16 : memref<200xi32, #tpu.memory_space<hbm>>) target(%arg5 : memref<200xi32, #tpu.memory_space<vmem>>) target_semaphore(%run_scoped3A : memref<!tpu.dma_semaphore, #tpu.memory_space<semaphore_mem>>)
      %dma_wait3A_17 = tpu.memref_slice %arg3[%add3A_4] : memref<160000xi32, #tpu.memory_space<hbm>> -> memref<200xi32, #tpu.memory_space<hbm>>
      %dma_wait3A_18 = tpu.memref_slice %arg3[%add3A_4] : memref<160000xi32, #tpu.memory_space<hbm>> -> memref<200xi32, #tpu.memory_space<hbm>>
      tpu.wait_dma2 semaphore(%run_scoped3A : memref<!tpu.dma_semaphore, #tpu.memory_space<semaphore_mem>>) src(%dma_wait3A_18 : memref<200xi32, #tpu.memory_space<hbm>>) dst(%arg5 : memref<200xi32, #tpu.memory_space<vmem>>)
      tpu.yield
    }) : () -> ()
    %dma_start3A = arith.constant 0 : i32
    %dma_start3A_5 = arith.constant 0 : i32
    %dma_start3A_6 = tpu.memref_slice %arg2[%dma_start3A, %dma_start3A_5] : memref<20000x128xi32, #tpu.memory_space<hbm>> -> memref<20000x128xi32, #tpu.memory_space<hbm>>
    tpu.enqueue_indirect_dma source(%dma_start3A_6 : memref<20000x128xi32, #tpu.memory_space<hbm>>) target(%arg7 : memref<200x128xi32, #tpu.memory_space<vmem>>) offsets(%arg5 : memref<200xi32, #tpu.memory_space<vmem>>) semaphore(%arg9 : memref<!tpu.dma_semaphore, #tpu.memory_space<semaphore_mem>>)
    %scan3A = arith.constant 0 : i32
    %scan3A_7 = arith.constant 12 : i32
    %scan3A_8 = arith.addi %scan3A, %scan3A_7 : i32
    %scan3A_9 = arith.constant 1 : i32
    scf.for %scan3A_15 = %scan3A to %scan3A_8 step %scan3A_9  : i32 {
      %mul3A_16 = arith.constant 2 : i32
      %mul3A_17 = arith.muli %mul3A_16, %scan3A_15 : i32
      %add3A_18 = arith.constant 1 : i32
      %add3A_19 = arith.addi %mul3A_17, %add3A_18 : i32
      %mul3A_20 = arith.constant 200 : i32
      %mul3A_21 = arith.muli %add3A_19, %mul3A_20 : i32
      %add3A_22 = arith.addi %mul3A_2, %mul3A_21 : i32
      "tpu.region"() ({
        %run_scoped3A = tpu.sem_alloc : memref<!tpu.dma_semaphore, #tpu.memory_space<semaphore_mem>>
        %dma_start3A_54 = tpu.memref_slice %arg3[%add3A_22] : memref<160000xi32, #tpu.memory_space<hbm>> -> memref<200xi32, #tpu.memory_space<hbm>>
        %dma_start3A_55 = tpu.memref_slice %arg3[%add3A_22] : memref<160000xi32, #tpu.memory_space<hbm>> -> memref<200xi32, #tpu.memory_space<hbm>>
        tpu.enqueue_dma source(%dma_start3A_55 : memref<200xi32, #tpu.memory_space<hbm>>) target(%arg6 : memref<200xi32, #tpu.memory_space<vmem>>) target_semaphore(%run_scoped3A : memref<!tpu.dma_semaphore, #tpu.memory_space<semaphore_mem>>)
        %dma_wait3A_56 = tpu.memref_slice %arg3[%add3A_22] : memref<160000xi32, #tpu.memory_space<hbm>> -> memref<200xi32, #tpu.memory_space<hbm>>
        %dma_wait3A_57 = tpu.memref_slice %arg3[%add3A_22] : memref<160000xi32, #tpu.memory_space<hbm>> -> memref<200xi32, #tpu.memory_space<hbm>>
        tpu.wait_dma2 semaphore(%run_scoped3A : memref<!tpu.dma_semaphore, #tpu.memory_space<semaphore_mem>>) src(%dma_wait3A_57 : memref<200xi32, #tpu.memory_space<hbm>>) dst(%arg6 : memref<200xi32, #tpu.memory_space<vmem>>)
        tpu.yield
      }) : () -> ()
      %dma_start3A_23 = arith.constant 0 : i32
      %dma_start3A_24 = arith.constant 0 : i32
      %dma_start3A_25 = tpu.memref_slice %arg2[%dma_start3A_23, %dma_start3A_24] : memref<20000x128xi32, #tpu.memory_space<hbm>> -> memref<20000x128xi32, #tpu.memory_space<hbm>>
      tpu.enqueue_indirect_dma source(%dma_start3A_25 : memref<20000x128xi32, #tpu.memory_space<hbm>>) target(%arg8 : memref<200x128xi32, #tpu.memory_space<vmem>>) offsets(%arg6 : memref<200xi32, #tpu.memory_space<vmem>>) semaphore(%arg10 : memref<!tpu.dma_semaphore, #tpu.memory_space<semaphore_mem>>)
      %mul3A_26 = arith.constant 2 : i32
      %mul3A_27 = arith.muli %mul3A_26, %scan3A_15 : i32
      %dma_wait3A_28 = arith.constant 0 : i32
      %dma_wait3A_29 = arith.constant 0 : i32
      %dma_wait3A_30 = tpu.memref_slice %arg2[%dma_wait3A_28, %dma_wait3A_29] : memref<20000x128xi32, #tpu.memory_space<hbm>> -> memref<20000x128xi32, #tpu.memory_space<hbm>>
      tpu.wait_indirect_dma semaphore(%arg9 : memref<!tpu.dma_semaphore, #tpu.memory_space<semaphore_mem>>) src(%dma_wait3A_30 : memref<20000x128xi32, #tpu.memory_space<hbm>>) dst(%arg7 : memref<200x128xi32, #tpu.memory_space<vmem>>)
      %mul3A_31 = arith.constant 200 : i32
      %mul3A_32 = arith.muli %mul3A_27, %mul3A_31 : i32
      %add3A_33 = arith.addi %mul3A_2, %mul3A_32 : i32
      "tpu.region"() ({
        %run_scoped3A = tpu.sem_alloc : memref<!tpu.dma_semaphore, #tpu.memory_space<semaphore_mem>>
        %dma_start3A_54 = arith.constant 0 : i32
        %dma_start3A_55 = tpu.memref_slice %arg4[%add3A_33, %dma_start3A_54] : memref<160000x128xi32, #tpu.memory_space<hbm>> -> memref<200x128xi32, #tpu.memory_space<hbm>>
        %dma_start3A_56 = arith.constant 0 : i32
        %dma_start3A_57 = tpu.memref_slice %arg4[%add3A_33, %dma_start3A_56] : memref<160000x128xi32, #tpu.memory_space<hbm>> -> memref<200x128xi32, #tpu.memory_space<hbm>>
        tpu.enqueue_dma source(%arg7 : memref<200x128xi32, #tpu.memory_space<vmem>>) target(%dma_start3A_57 : memref<200x128xi32, #tpu.memory_space<hbm>>) target_semaphore(%run_scoped3A : memref<!tpu.dma_semaphore, #tpu.memory_space<semaphore_mem>>)
        %dma_wait3A_58 = arith.constant 0 : i32
        %dma_wait3A_59 = tpu.memref_slice %arg4[%add3A_33, %dma_wait3A_58] : memref<160000x128xi32, #tpu.memory_space<hbm>> -> memref<200x128xi32, #tpu.memory_space<hbm>>
        %dma_wait3A_60 = arith.constant 0 : i32
        %dma_wait3A_61 = tpu.memref_slice %arg4[%add3A_33, %dma_wait3A_60] : memref<160000x128xi32, #tpu.memory_space<hbm>> -> memref<200x128xi32, #tpu.memory_space<hbm>>
        tpu.wait_dma2 semaphore(%run_scoped3A : memref<!tpu.dma_semaphore, #tpu.memory_space<semaphore_mem>>) src(%arg7 : memref<200x128xi32, #tpu.memory_space<vmem>>) dst(%dma_wait3A_61 : memref<200x128xi32, #tpu.memory_space<hbm>>)
        tpu.yield
      }) : () -> ()
      %mul3A_34 = arith.constant 2 : i32
      %mul3A_35 = arith.muli %mul3A_34, %scan3A_15 : i32
      %add3A_36 = arith.constant 2 : i32
      %add3A_37 = arith.addi %mul3A_35, %add3A_36 : i32
      %mul3A_38 = arith.constant 200 : i32
      %mul3A_39 = arith.muli %add3A_37, %mul3A_38 : i32
      %add3A_40 = arith.addi %mul3A_2, %mul3A_39 : i32
      "tpu.region"() ({
        %run_scoped3A = tpu.sem_alloc : memref<!tpu.dma_semaphore, #tpu.memory_space<semaphore_mem>>
        %dma_start3A_54 = tpu.memref_slice %arg3[%add3A_40] : memref<160000xi32, #tpu.memory_space<hbm>> -> memref<200xi32, #tpu.memory_space<hbm>>
        %dma_start3A_55 = tpu.memref_slice %arg3[%add3A_40] : memref<160000xi32, #tpu.memory_space<hbm>> -> memref<200xi32, #tpu.memory_space<hbm>>
        tpu.enqueue_dma source(%dma_start3A_55 : memref<200xi32, #tpu.memory_space<hbm>>) target(%arg5 : memref<200xi32, #tpu.memory_space<vmem>>) target_semaphore(%run_scoped3A : memref<!tpu.dma_semaphore, #tpu.memory_space<semaphore_mem>>)
        %dma_wait3A_56 = tpu.memref_slice %arg3[%add3A_40] : memref<160000xi32, #tpu.memory_space<hbm>> -> memref<200xi32, #tpu.memory_space<hbm>>
        %dma_wait3A_57 = tpu.memref_slice %arg3[%add3A_40] : memref<160000xi32, #tpu.memory_space<hbm>> -> memref<200xi32, #tpu.memory_space<hbm>>
        tpu.wait_dma2 semaphore(%run_scoped3A : memref<!tpu.dma_semaphore, #tpu.memory_space<semaphore_mem>>) src(%dma_wait3A_57 : memref<200xi32, #tpu.memory_space<hbm>>) dst(%arg5 : memref<200xi32, #tpu.memory_space<vmem>>)
        tpu.yield
      }) : () -> ()
      %dma_start3A_41 = arith.constant 0 : i32
      %dma_start3A_42 = arith.constant 0 : i32
      %dma_start3A_43 = tpu.memref_slice %arg2[%dma_start3A_41, %dma_start3A_42] : memref<20000x128xi32, #tpu.memory_space<hbm>> -> memref<20000x128xi32, #tpu.memory_space<hbm>>
      tpu.enqueue_indirect_dma source(%dma_start3A_43 : memref<20000x128xi32, #tpu.memory_space<hbm>>) target(%arg7 : memref<200x128xi32, #tpu.memory_space<vmem>>) offsets(%arg5 : memref<200xi32, #tpu.memory_space<vmem>>) semaphore(%arg9 : memref<!tpu.dma_semaphore, #tpu.memory_space<semaphore_mem>>)
      %mul3A_44 = arith.constant 2 : i32
      %mul3A_45 = arith.muli %mul3A_44, %scan3A_15 : i32
      %add3A_46 = arith.constant 1 : i32
      %add3A_47 = arith.addi %mul3A_45, %add3A_46 : i32
      %dma_wait3A_48 = arith.constant 0 : i32
      %dma_wait3A_49 = arith.constant 0 : i32
      %dma_wait3A_50 = tpu.memref_slice %arg2[%dma_wait3A_48, %dma_wait3A_49] : memref<20000x128xi32, #tpu.memory_space<hbm>> -> memref<20000x128xi32, #tpu.memory_space<hbm>>
      tpu.wait_indirect_dma semaphore(%arg10 : memref<!tpu.dma_semaphore, #tpu.memory_space<semaphore_mem>>) src(%dma_wait3A_50 : memref<20000x128xi32, #tpu.memory_space<hbm>>) dst(%arg8 : memref<200x128xi32, #tpu.memory_space<vmem>>)
      %mul3A_51 = arith.constant 200 : i32
      %mul3A_52 = arith.muli %add3A_47, %mul3A_51 : i32
      %add3A_53 = arith.addi %mul3A_2, %mul3A_52 : i32
      "tpu.region"() ({
        %run_scoped3A = tpu.sem_alloc : memref<!tpu.dma_semaphore, #tpu.memory_space<semaphore_mem>>
        %dma_start3A_54 = arith.constant 0 : i32
        %dma_start3A_55 = tpu.memref_slice %arg4[%add3A_53, %dma_start3A_54] : memref<160000x128xi32, #tpu.memory_space<hbm>> -> memref<200x128xi32, #tpu.memory_space<hbm>>
        %dma_start3A_56 = arith.constant 0 : i32
        %dma_start3A_57 = tpu.memref_slice %arg4[%add3A_53, %dma_start3A_56] : memref<160000x128xi32, #tpu.memory_space<hbm>> -> memref<200x128xi32, #tpu.memory_space<hbm>>
        tpu.enqueue_dma source(%arg8 : memref<200x128xi32, #tpu.memory_space<vmem>>) target(%dma_start3A_57 : memref<200x128xi32, #tpu.memory_space<hbm>>) target_semaphore(%run_scoped3A : memref<!tpu.dma_semaphore, #tpu.memory_space<semaphore_mem>>)
        %dma_wait3A_58 = arith.constant 0 : i32
        %dma_wait3A_59 = tpu.memref_slice %arg4[%add3A_53, %dma_wait3A_58] : memref<160000x128xi32, #tpu.memory_space<hbm>> -> memref<200x128xi32, #tpu.memory_space<hbm>>
        %dma_wait3A_60 = arith.constant 0 : i32
        %dma_wait3A_61 = tpu.memref_slice %arg4[%add3A_53, %dma_wait3A_60] : memref<160000x128xi32, #tpu.memory_space<hbm>> -> memref<200x128xi32, #tpu.memory_space<hbm>>
        tpu.wait_dma2 semaphore(%run_scoped3A : memref<!tpu.dma_semaphore, #tpu.memory_space<semaphore_mem>>) src(%arg8 : memref<200x128xi32, #tpu.memory_space<vmem>>) dst(%dma_wait3A_61 : memref<200x128xi32, #tpu.memory_space<hbm>>)
        tpu.yield
      }) : () -> ()
    }
    %scan3A_10 = arith.constant 12 : i32
    %dma_wait3A = arith.constant 0 : i32
    %dma_wait3A_11 = arith.constant 0 : i32
    %dma_wait3A_12 = tpu.memref_slice %arg2[%dma_wait3A, %dma_wait3A_11] : memref<20000x128xi32, #tpu.memory_space<hbm>> -> memref<20000x128xi32, #tpu.memory_space<hbm>>
    tpu.wait_indirect_dma semaphore(%arg9 : memref<!tpu.dma_semaphore, #tpu.memory_space<semaphore_mem>>) src(%dma_wait3A_12 : memref<20000x128xi32, #tpu.memory_space<hbm>>) dst(%arg7 : memref<200x128xi32, #tpu.memory_space<vmem>>)
    %add3A_13 = arith.constant 4800 : i32
    %add3A_14 = arith.addi %mul3A_2, %add3A_13 : i32
    "tpu.region"() ({
      %run_scoped3A = tpu.sem_alloc : memref<!tpu.dma_semaphore, #tpu.memory_space<semaphore_mem>>
      %dma_start3A_15 = arith.constant 0 : i32
      %dma_start3A_16 = tpu.memref_slice %arg4[%add3A_14, %dma_start3A_15] : memref<160000x128xi32, #tpu.memory_space<hbm>> -> memref<200x128xi32, #tpu.memory_space<hbm>>
      %dma_start3A_17 = arith.constant 0 : i32
      %dma_start3A_18 = tpu.memref_slice %arg4[%add3A_14, %dma_start3A_17] : memref<160000x128xi32, #tpu.memory_space<hbm>> -> memref<200x128xi32, #tpu.memory_space<hbm>>
      tpu.enqueue_dma source(%arg7 : memref<200x128xi32, #tpu.memory_space<vmem>>) target(%dma_start3A_18 : memref<200x128xi32, #tpu.memory_space<hbm>>) target_semaphore(%run_scoped3A : memref<!tpu.dma_semaphore, #tpu.memory_space<semaphore_mem>>)
      %dma_wait3A_19 = arith.constant 0 : i32
      %dma_wait3A_20 = tpu.memref_slice %arg4[%add3A_14, %dma_wait3A_19] : memref<160000x128xi32, #tpu.memory_space<hbm>> -> memref<200x128xi32, #tpu.memory_space<hbm>>
      %dma_wait3A_21 = arith.constant 0 : i32
      %dma_wait3A_22 = tpu.memref_slice %arg4[%add3A_14, %dma_wait3A_21] : memref<160000x128xi32, #tpu.memory_space<hbm>> -> memref<200x128xi32, #tpu.memory_space<hbm>>
      tpu.wait_dma2 semaphore(%run_scoped3A : memref<!tpu.dma_semaphore, #tpu.memory_space<semaphore_mem>>) src(%arg7 : memref<200x128xi32, #tpu.memory_space<vmem>>) dst(%dma_wait3A_22 : memref<200x128xi32, #tpu.memory_space<hbm>>)
      tpu.yield
    }) : () -> ()
    return
  }
}

#map = affine_map<(d0, d1) -> (0, 0)>
#map1 = affine_map<(d0, d1) -> (0)>
module attributes {stable_mosaic.version = 14 : i64} {
  func.func @k(%arg0: i32, %arg1: i32, %arg2: memref<20000x128xi32, #tpu.memory_space<hbm>>, %arg3: memref<160000xi32, #tpu.memory_space<hbm>>, %arg4: memref<160000x128xi32, #tpu.memory_space<hbm>>, %arg5: memref<200xi32, #tpu.memory_space<vmem>>, %arg6: memref<200xi32, #tpu.memory_space<vmem>>, %arg7: memref<200x128xi32, #tpu.memory_space<vmem>>, %arg8: memref<200x128xi32, #tpu.memory_space<vmem>>, %arg9: memref<!tpu.dma_semaphore, #tpu.memory_space<semaphore_mem>>, %arg10: memref<!tpu.dma_semaphore, #tpu.memory_space<semaphore_mem>>) attributes {dimension_semantics = [#tpu.dimension_semantics<core_parallel>, #tpu.dimension_semantics<subcore_parallel>], iteration_bounds = array<i64: 2, 16>, scalar_prefetch = 0 : i64, scratch_operands = 6 : i64, tpu.core_type = #tpu.core_type<sc_vector_subcore>, window_params = [{transform_indices = #map}, {transform_indices = #map1}, {transform_indices = #map}]} {
    %mul3A = arith.constant 2 : i32
    %mul3A_0 = arith.muli %arg1, %mul3A : i32
    %add3A = arith.addi %mul3A_0, %arg0 : i32
    %mul3A_1 = arith.constant 5000 : i32
    %mul3A_2 = arith.muli %add3A, %mul3A_1 : i32
    %add3A_3 = arith.constant 0 : i32
    %add3A_4 = arith.addi %mul3A_2, %add3A_3 : i32
    "tpu.region"() ({
      %run_scoped3A = tpu.sem_alloc : memref<!tpu.dma_semaphore, #tpu.memory_space<semaphore_mem>>
      %dma_start3A_15 = tpu.memref_slice %arg3[%add3A_4] : memref<160000xi32, #tpu.memory_space<hbm>> -> memref<200xi32, #tpu.memory_space<hbm>>
      %dma_start3A_16 = tpu.memref_slice %arg3[%add3A_4] : memref<160000xi32, #tpu.memory_space<hbm>> -> memref<200xi32, #tpu.memory_space<hbm>>
      tpu.enqueue_dma source(%dma_start3A_16 : memref<200xi32, #tpu.memory_space<hbm>>) target(%arg5 : memref<200xi32, #tpu.memory_space<vmem>>) target_semaphore(%run_scoped3A : memref<!tpu.dma_semaphore, #tpu.memory_space<semaphore_mem>>)
      %dma_wait3A_17 = tpu.memref_slice %arg3[%add3A_4] : memref<160000xi32, #tpu.memory_space<hbm>> -> memref<200xi32, #tpu.memory_space<hbm>>
      %dma_wait3A_18 = tpu.memref_slice %arg3[%add3A_4] : memref<160000xi32, #tpu.memory_space<hbm>> -> memref<200xi32, #tpu.memory_space<hbm>>
      tpu.wait_dma2 semaphore(%run_scoped3A : memref<!tpu.dma_semaphore, #tpu.memory_space<semaphore_mem>>) src(%dma_wait3A_18 : memref<200xi32, #tpu.memory_space<hbm>>) dst(%arg5 : memref<200xi32, #tpu.memory_space<vmem>>)
      tpu.yield
    }) : () -> ()
    %dma_start3A = arith.constant 0 : i32
    %dma_start3A_5 = arith.constant 0 : i32
    %dma_start3A_6 = tpu.memref_slice %arg2[%dma_start3A, %dma_start3A_5] : memref<20000x128xi32, #tpu.memory_space<hbm>> -> memref<20000x128xi32, #tpu.memory_space<hbm>>
    tpu.enqueue_indirect_dma source(%dma_start3A_6 : memref<20000x128xi32, #tpu.memory_space<hbm>>) target(%arg7 : memref<200x128xi32, #tpu.memory_space<vmem>>) offsets(%arg5 : memref<200xi32, #tpu.memory_space<vmem>>) semaphore(%arg9 : memref<!tpu.dma_semaphore, #tpu.memory_space<semaphore_mem>>)
    %scan3A = arith.constant 0 : i32
    %scan3A_7 = arith.constant 12 : i32
    %scan3A_8 = arith.addi %scan3A, %scan3A_7 : i32
    %scan3A_9 = arith.constant 1 : i32
    scf.for %scan3A_15 = %scan3A to %scan3A_8 step %scan3A_9  : i32 {
      %mul3A_16 = arith.constant 2 : i32
      %mul3A_17 = arith.muli %mul3A_16, %scan3A_15 : i32
      %add3A_18 = arith.constant 1 : i32
      %add3A_19 = arith.addi %mul3A_17, %add3A_18 : i32
      %mul3A_20 = arith.constant 200 : i32
      %mul3A_21 = arith.muli %add3A_19, %mul3A_20 : i32
      %add3A_22 = arith.addi %mul3A_2, %mul3A_21 : i32
      "tpu.region"() ({
        %run_scoped3A = tpu.sem_alloc : memref<!tpu.dma_semaphore, #tpu.memory_space<semaphore_mem>>
        %dma_start3A_54 = tpu.memref_slice %arg3[%add3A_22] : memref<160000xi32, #tpu.memory_space<hbm>> -> memref<200xi32, #tpu.memory_space<hbm>>
        %dma_start3A_55 = tpu.memref_slice %arg3[%add3A_22] : memref<160000xi32, #tpu.memory_space<hbm>> -> memref<200xi32, #tpu.memory_space<hbm>>
        tpu.enqueue_dma source(%dma_start3A_55 : memref<200xi32, #tpu.memory_space<hbm>>) target(%arg6 : memref<200xi32, #tpu.memory_space<vmem>>) target_semaphore(%run_scoped3A : memref<!tpu.dma_semaphore, #tpu.memory_space<semaphore_mem>>)
        %dma_wait3A_56 = tpu.memref_slice %arg3[%add3A_22] : memref<160000xi32, #tpu.memory_space<hbm>> -> memref<200xi32, #tpu.memory_space<hbm>>
        %dma_wait3A_57 = tpu.memref_slice %arg3[%add3A_22] : memref<160000xi32, #tpu.memory_space<hbm>> -> memref<200xi32, #tpu.memory_space<hbm>>
        tpu.wait_dma2 semaphore(%run_scoped3A : memref<!tpu.dma_semaphore, #tpu.memory_space<semaphore_mem>>) src(%dma_wait3A_57 : memref<200xi32, #tpu.memory_space<hbm>>) dst(%arg6 : memref<200xi32, #tpu.memory_space<vmem>>)
        tpu.yield
      }) : () -> ()
      %dma_start3A_23 = arith.constant 0 : i32
      %dma_start3A_24 = arith.constant 0 : i32
      %dma_start3A_25 = tpu.memref_slice %arg2[%dma_start3A_23, %dma_start3A_24] : memref<20000x128xi32, #tpu.memory_space<hbm>> -> memref<20000x128xi32, #tpu.memory_space<hbm>>
      tpu.enqueue_indirect_dma source(%dma_start3A_25 : memref<20000x128xi32, #tpu.memory_space<hbm>>) target(%arg8 : memref<200x128xi32, #tpu.memory_space<vmem>>) offsets(%arg6 : memref<200xi32, #tpu.memory_space<vmem>>) semaphore(%arg10 : memref<!tpu.dma_semaphore, #tpu.memory_space<semaphore_mem>>)
      %mul3A_26 = arith.constant 2 : i32
      %mul3A_27 = arith.muli %mul3A_26, %scan3A_15 : i32
      %dma_wait3A_28 = arith.constant 0 : i32
      %dma_wait3A_29 = arith.constant 0 : i32
      %dma_wait3A_30 = tpu.memref_slice %arg2[%dma_wait3A_28, %dma_wait3A_29] : memref<20000x128xi32, #tpu.memory_space<hbm>> -> memref<20000x128xi32, #tpu.memory_space<hbm>>
      tpu.wait_indirect_dma semaphore(%arg9 : memref<!tpu.dma_semaphore, #tpu.memory_space<semaphore_mem>>) src(%dma_wait3A_30 : memref<20000x128xi32, #tpu.memory_space<hbm>>) dst(%arg7 : memref<200x128xi32, #tpu.memory_space<vmem>>)
      %mul3A_31 = arith.constant 200 : i32
      %mul3A_32 = arith.muli %mul3A_27, %mul3A_31 : i32
      %add3A_33 = arith.addi %mul3A_2, %mul3A_32 : i32
      "tpu.region"() ({
        %run_scoped3A = tpu.sem_alloc : memref<!tpu.dma_semaphore, #tpu.memory_space<semaphore_mem>>
        %dma_start3A_54 = arith.constant 0 : i32
        %dma_start3A_55 = tpu.memref_slice %arg4[%add3A_33, %dma_start3A_54] : memref<160000x128xi32, #tpu.memory_space<hbm>> -> memref<200x128xi32, #tpu.memory_space<hbm>>
        %dma_start3A_56 = arith.constant 0 : i32
        %dma_start3A_57 = tpu.memref_slice %arg4[%add3A_33, %dma_start3A_56] : memref<160000x128xi32, #tpu.memory_space<hbm>> -> memref<200x128xi32, #tpu.memory_space<hbm>>
        tpu.enqueue_dma source(%arg7 : memref<200x128xi32, #tpu.memory_space<vmem>>) target(%dma_start3A_57 : memref<200x128xi32, #tpu.memory_space<hbm>>) target_semaphore(%run_scoped3A : memref<!tpu.dma_semaphore, #tpu.memory_space<semaphore_mem>>)
        %dma_wait3A_58 = arith.constant 0 : i32
        %dma_wait3A_59 = tpu.memref_slice %arg4[%add3A_33, %dma_wait3A_58] : memref<160000x128xi32, #tpu.memory_space<hbm>> -> memref<200x128xi32, #tpu.memory_space<hbm>>
        %dma_wait3A_60 = arith.constant 0 : i32
        %dma_wait3A_61 = tpu.memref_slice %arg4[%add3A_33, %dma_wait3A_60] : memref<160000x128xi32, #tpu.memory_space<hbm>> -> memref<200x128xi32, #tpu.memory_space<hbm>>
        tpu.wait_dma2 semaphore(%run_scoped3A : memref<!tpu.dma_semaphore, #tpu.memory_space<semaphore_mem>>) src(%arg7 : memref<200x128xi32, #tpu.memory_space<vmem>>) dst(%dma_wait3A_61 : memref<200x128xi32, #tpu.memory_space<hbm>>)
        tpu.yield
      }) : () -> ()
      %mul3A_34 = arith.constant 2 : i32
      %mul3A_35 = arith.muli %mul3A_34, %scan3A_15 : i32
      %add3A_36 = arith.constant 2 : i32
      %add3A_37 = arith.addi %mul3A_35, %add3A_36 : i32
      %mul3A_38 = arith.constant 200 : i32
      %mul3A_39 = arith.muli %add3A_37, %mul3A_38 : i32
      %add3A_40 = arith.addi %mul3A_2, %mul3A_39 : i32
      "tpu.region"() ({
        %run_scoped3A = tpu.sem_alloc : memref<!tpu.dma_semaphore, #tpu.memory_space<semaphore_mem>>
        %dma_start3A_54 = tpu.memref_slice %arg3[%add3A_40] : memref<160000xi32, #tpu.memory_space<hbm>> -> memref<200xi32, #tpu.memory_space<hbm>>
        %dma_start3A_55 = tpu.memref_slice %arg3[%add3A_40] : memref<160000xi32, #tpu.memory_space<hbm>> -> memref<200xi32, #tpu.memory_space<hbm>>
        tpu.enqueue_dma source(%dma_start3A_55 : memref<200xi32, #tpu.memory_space<hbm>>) target(%arg5 : memref<200xi32, #tpu.memory_space<vmem>>) target_semaphore(%run_scoped3A : memref<!tpu.dma_semaphore, #tpu.memory_space<semaphore_mem>>)
        %dma_wait3A_56 = tpu.memref_slice %arg3[%add3A_40] : memref<160000xi32, #tpu.memory_space<hbm>> -> memref<200xi32, #tpu.memory_space<hbm>>
        %dma_wait3A_57 = tpu.memref_slice %arg3[%add3A_40] : memref<160000xi32, #tpu.memory_space<hbm>> -> memref<200xi32, #tpu.memory_space<hbm>>
        tpu.wait_dma2 semaphore(%run_scoped3A : memref<!tpu.dma_semaphore, #tpu.memory_space<semaphore_mem>>) src(%dma_wait3A_57 : memref<200xi32, #tpu.memory_space<hbm>>) dst(%arg5 : memref<200xi32, #tpu.memory_space<vmem>>)
        tpu.yield
      }) : () -> ()
      %dma_start3A_41 = arith.constant 0 : i32
      %dma_start3A_42 = arith.constant 0 : i32
      %dma_start3A_43 = tpu.memref_slice %arg2[%dma_start3A_41, %dma_start3A_42] : memref<20000x128xi32, #tpu.memory_space<hbm>> -> memref<20000x128xi32, #tpu.memory_space<hbm>>
      tpu.enqueue_indirect_dma source(%dma_start3A_43 : memref<20000x128xi32, #tpu.memory_space<hbm>>) target(%arg7 : memref<200x128xi32, #tpu.memory_space<vmem>>) offsets(%arg5 : memref<200xi32, #tpu.memory_space<vmem>>) semaphore(%arg9 : memref<!tpu.dma_semaphore, #tpu.memory_space<semaphore_mem>>)
      %mul3A_44 = arith.constant 2 : i32
      %mul3A_45 = arith.muli %mul3A_44, %scan3A_15 : i32
      %add3A_46 = arith.constant 1 : i32
      %add3A_47 = arith.addi %mul3A_45, %add3A_46 : i32
      %dma_wait3A_48 = arith.constant 0 : i32
      %dma_wait3A_49 = arith.constant 0 : i32
      %dma_wait3A_50 = tpu.memref_slice %arg2[%dma_wait3A_48, %dma_wait3A_49] : memref<20000x128xi32, #tpu.memory_space<hbm>> -> memref<20000x128xi32, #tpu.memory_space<hbm>>
      tpu.wait_indirect_dma semaphore(%arg10 : memref<!tpu.dma_semaphore, #tpu.memory_space<semaphore_mem>>) src(%dma_wait3A_50 : memref<20000x128xi32, #tpu.memory_space<hbm>>) dst(%arg8 : memref<200x128xi32, #tpu.memory_space<vmem>>)
      %mul3A_51 = arith.constant 200 : i32
      %mul3A_52 = arith.muli %add3A_47, %mul3A_51 : i32
      %add3A_53 = arith.addi %mul3A_2, %mul3A_52 : i32
      "tpu.region"() ({
        %run_scoped3A = tpu.sem_alloc : memref<!tpu.dma_semaphore, #tpu.memory_space<semaphore_mem>>
        %dma_start3A_54 = arith.constant 0 : i32
        %dma_start3A_55 = tpu.memref_slice %arg4[%add3A_53, %dma_start3A_54] : memref<160000x128xi32, #tpu.memory_space<hbm>> -> memref<200x128xi32, #tpu.memory_space<hbm>>
        %dma_start3A_56 = arith.constant 0 : i32
        %dma_start3A_57 = tpu.memref_slice %arg4[%add3A_53, %dma_start3A_56] : memref<160000x128xi32, #tpu.memory_space<hbm>> -> memref<200x128xi32, #tpu.memory_space<hbm>>
        tpu.enqueue_dma source(%arg8 : memref<200x128xi32, #tpu.memory_space<vmem>>) target(%dma_start3A_57 : memref<200x128xi32, #tpu.memory_space<hbm>>) target_semaphore(%run_scoped3A : memref<!tpu.dma_semaphore, #tpu.memory_space<semaphore_mem>>)
        %dma_wait3A_58 = arith.constant 0 : i32
        %dma_wait3A_59 = tpu.memref_slice %arg4[%add3A_53, %dma_wait3A_58] : memref<160000x128xi32, #tpu.memory_space<hbm>> -> memref<200x128xi32, #tpu.memory_space<hbm>>
        %dma_wait3A_60 = arith.constant 0 : i32
        %dma_wait3A_61 = tpu.memref_slice %arg4[%add3A_53, %dma_wait3A_60] : memref<160000x128xi32, #tpu.memory_space<hbm>> -> memref<200x128xi32, #tpu.memory_space<hbm>>
        tpu.wait_dma2 semaphore(%run_scoped3A : memref<!tpu.dma_semaphore, #tpu.memory_space<semaphore_mem>>) src(%arg8 : memref<200x128xi32, #tpu.memory_space<vmem>>) dst(%dma_wait3A_61 : memref<200x128xi32, #tpu.memory_space<hbm>>)
        tpu.yield
      }) : () -> ()
    }
    %scan3A_10 = arith.constant 12 : i32
    %dma_wait3A = arith.constant 0 : i32
    %dma_wait3A_11 = arith.constant 0 : i32
    %dma_wait3A_12 = tpu.memref_slice %arg2[%dma_wait3A, %dma_wait3A_11] : memref<20000x128xi32, #tpu.memory_space<hbm>> -> memref<20000x128xi32, #tpu.memory_space<hbm>>
    tpu.wait_indirect_dma semaphore(%arg9 : memref<!tpu.dma_semaphore, #tpu.memory_space<semaphore_mem>>) src(%dma_wait3A_12 : memref<20000x128xi32, #tpu.memory_space<hbm>>) dst(%arg7 : memref<200x128xi32, #tpu.memory_space<vmem>>)
    %add3A_13 = arith.constant 4800 : i32
    %add3A_14 = arith.addi %mul3A_2, %add3A_13 : i32
    "tpu.region"() ({
      %run_scoped3A = tpu.sem_alloc : memref<!tpu.dma_semaphore, #tpu.memory_space<semaphore_mem>>
      %dma_start3A_15 = arith.constant 0 : i32
      %dma_start3A_16 = tpu.memref_slice %arg4[%add3A_14, %dma_start3A_15] : memref<160000x128xi32, #tpu.memory_space<hbm>> -> memref<200x128xi32, #tpu.memory_space<hbm>>
      %dma_start3A_17 = arith.constant 0 : i32
      %dma_start3A_18 = tpu.memref_slice %arg4[%add3A_14, %dma_start3A_17] : memref<160000x128xi32, #tpu.memory_space<hbm>> -> memref<200x128xi32, #tpu.memory_space<hbm>>
      tpu.enqueue_dma source(%arg7 : memref<200x128xi32, #tpu.memory_space<vmem>>) target(%dma_start3A_18 : memref<200x128xi32, #tpu.memory_space<hbm>>) target_semaphore(%run_scoped3A : memref<!tpu.dma_semaphore, #tpu.memory_space<semaphore_mem>>)
      %dma_wait3A_19 = arith.constant 0 : i32
      %dma_wait3A_20 = tpu.memref_slice %arg4[%add3A_14, %dma_wait3A_19] : memref<160000x128xi32, #tpu.memory_space<hbm>> -> memref<200x128xi32, #tpu.memory_space<hbm>>
      %dma_wait3A_21 = arith.constant 0 : i32
      %dma_wait3A_22 = tpu.memref_slice %arg4[%add3A_14, %dma_wait3A_21] : memref<160000x128xi32, #tpu.memory_space<hbm>> -> memref<200x128xi32, #tpu.memory_space<hbm>>
      tpu.wait_dma2 semaphore(%run_scoped3A : memref<!tpu.dma_semaphore, #tpu.memory_space<semaphore_mem>>) src(%arg7 : memref<200x128xi32, #tpu.memory_space<vmem>>) dst(%dma_wait3A_22 : memref<200x128xi32, #tpu.memory_space<hbm>>)
      tpu.yield
    }) : () -> ()
    return
  }
}

module attributes {stable_mosaic.version = 14 : i64} {
  func.func @_pack_body(%arg0: i32, %arg1: memref<2000x128xf32, #tpu.memory_space<vmem>>, %arg2: memref<2000x16xf32, #tpu.memory_space<vmem>>, %arg3: memref<16x64xf32, #tpu.memory_space<vmem>>, %arg4: memref<2000x128xi32, #tpu.memory_space<vmem>>) attributes {dimension_semantics = [#tpu.dimension_semantics<arbitrary>], iteration_bounds = array<i64: 10>, scalar_prefetch = 0 : i64, scratch_operands = 0 : i64, tpu.core_type = #tpu.core_type<tc>, window_params = [{transform_indices = @transform_0, window_bounds = array<i64: 2000, 128>}, {transform_indices = @transform_1, window_bounds = array<i64: 2000, 16>}, {pipeline_mode = #tpu.pipeline_mode<synchronous>, transform_indices = @transform_2, window_bounds = array<i64: 16, 64>}, {transform_indices = @transform_3, window_bounds = array<i64: 2000, 128>}]} {
    %get3A = arith.constant 0 : index
    %get3A_0 = arith.constant 0 : index
    %get3A_1 = vector.load %arg2[%get3A, %get3A_0] : memref<2000x16xf32, #tpu.memory_space<vmem>>, vector<2000x16xf32>
    %get3A_2 = arith.constant 0 : index
    %get3A_3 = arith.constant 0 : index
    %get3A_4 = vector.load %arg3[%get3A_2, %get3A_3] : memref<16x64xf32, #tpu.memory_space<vmem>>, vector<16x64xf32>
    %dot_general3A = arith.constant dense<0.000000e+00> : vector<2000x64xf32>
    %dot_general3A_5 = tpu.matmul %get3A_1, %get3A_4, %dot_general3A {dimension_numbers = #tpu.dot_dimension_numbers<[1], [0], [0], [1], [0, 0, 1, 1], [], []>, transpose_lhs_hint = false} : vector<2000x16xf32>, vector<16x64xf32>, vector<2000x64xf32> -> vector<2000x64xf32>
    %mul3A = arith.constant 6.28318548 : f32
    %mul3A_6 = vector.broadcast %mul3A : f32 to vector<2000x64xf32>
    %mul3A_7 = arith.mulf %mul3A_6, %dot_general3A_5 : vector<2000x64xf32>
    %sin3A = math.sin %mul3A_7 : vector<2000x64xf32>
    %cos3A = math.cos %mul3A_7 : vector<2000x64xf32>
    %concatenate3A = tpu.concatenate %sin3A, %cos3A in 1 : vector<2000x64xf32>, vector<2000x64xf32> -> vector<2000x128xf32>
    %convert_element_type3A = arith.truncf %concatenate3A : vector<2000x128xf32> to vector<2000x128xbf16>
    %convert_element_type3A_8 = arith.extf %convert_element_type3A : vector<2000x128xbf16> to vector<2000x128xf32>
    %get3A_9 = arith.constant 0 : index
    %get3A_10 = arith.constant 0 : index
    %get3A_11 = vector.load %arg1[%get3A_9, %get3A_10] : memref<2000x128xf32, #tpu.memory_space<vmem>>, vector<2000x128xf32>
    %convert_element_type3A_12 = arith.truncf %get3A_11 : vector<2000x128xf32> to vector<2000x128xbf16>
    %convert_element_type3A_13 = arith.extf %convert_element_type3A_12 : vector<2000x128xbf16> to vector<2000x128xf32>
    %bitcast_convert_type3A = tpu.bitcast %convert_element_type3A_8 : vector<2000x128xf32> -> vector<2000x128xi32>
    %shift_right_logical3A = arith.constant 16 : i32
    %shift_right_logical3A_14 = vector.broadcast %shift_right_logical3A : i32 to vector<2000x128xi32>
    %shift_right_logical3A_15 = arith.shrui %bitcast_convert_type3A, %shift_right_logical3A_14 : vector<2000x128xi32>
    %shift_left3A = arith.constant 16 : i32
    %shift_left3A_16 = vector.broadcast %shift_left3A : i32 to vector<2000x128xi32>
    %shift_left3A_17 = arith.shli %shift_right_logical3A_15, %shift_left3A_16 : vector<2000x128xi32>
    %bitcast_convert_type3A_18 = tpu.bitcast %convert_element_type3A_13 : vector<2000x128xf32> -> vector<2000x128xi32>
    %shift_right_logical3A_19 = arith.constant 16 : i32
    %shift_right_logical3A_20 = vector.broadcast %shift_right_logical3A_19 : i32 to vector<2000x128xi32>
    %shift_right_logical3A_21 = arith.shrui %bitcast_convert_type3A_18, %shift_right_logical3A_20 : vector<2000x128xi32>
    %or3A = arith.ori %shift_left3A_17, %shift_right_logical3A_21 : vector<2000x128xi32>
    %bitcast_convert_type3A_22 = tpu.bitcast %or3A : vector<2000x128xi32> -> vector<2000x128xi32>
    %swap3A = arith.constant 0 : index
    %swap3A_23 = arith.constant 0 : index
    %swap3A_24 = vector.load %arg4[%swap3A, %swap3A_23] : memref<2000x128xi32, #tpu.memory_space<vmem>>, vector<2000x128xi32>
    tpu.vector_store %arg4[%swap3A, %swap3A_23], %bitcast_convert_type3A_22 {strides = array<i32>} : memref<2000x128xi32, #tpu.memory_space<vmem>>, vector<2000x128xi32>,
    return
  }
  func.func @transform_0(%arg0: i32) -> (i32, i32) {
    %c0_i32 = arith.constant 0 : i32
    %c0_i32_0 = arith.constant 0 : i32
    return %arg0, %c0_i32 : i32, i32
  }
  func.func @transform_1(%arg0: i32) -> (i32, i32) {
    %c0_i32 = arith.constant 0 : i32
    %c0_i32_0 = arith.constant 0 : i32
    return %arg0, %c0_i32 : i32, i32
  }
  func.func @transform_2(%arg0: i32) -> (i32, i32) {
    %c0_i32 = arith.constant 0 : i32
    %c0_i32_0 = arith.constant 0 : i32
    %c0_i32_1 = arith.constant 0 : i32
    return %c0_i32, %c0_i32_0 : i32, i32
  }
  func.func @transform_3(%arg0: i32) -> (i32, i32) {
    %c0_i32 = arith.constant 0 : i32
    %c0_i32_0 = arith.constant 0 : i32
    return %arg0, %c0_i32 : i32, i32
  }
}

module attributes {stable_mosaic.version = 14 : i64} {
  func.func @_tc_body(%arg0: i32, %arg1: memref<6400x128xi32, #tpu.memory_space<vmem>>, %arg2: memref<400x128xi32, #tpu.memory_space<vmem>>, %arg3: memref<128x32xbf16, #tpu.memory_space<vmem>>, %arg4: memref<1x32xf32, #tpu.memory_space<vmem>>, %arg5: memref<32x128xbf16, #tpu.memory_space<vmem>>, %arg6: memref<1x128xf32, #tpu.memory_space<vmem>>, %arg7: memref<128x128xbf16, #tpu.memory_space<vmem>>, %arg8: memref<1x128xf32, #tpu.memory_space<vmem>>, %arg9: memref<128x128xbf16, #tpu.memory_space<vmem>>, %arg10: memref<1x128xf32, #tpu.memory_space<vmem>>, %arg11: memref<128x128xbf16, #tpu.memory_space<vmem>>, %arg12: memref<1x128xf32, #tpu.memory_space<vmem>>, %arg13: memref<128x128xbf16, #tpu.memory_space<vmem>>, %arg14: memref<1x128xf32, #tpu.memory_space<vmem>>, %arg15: memref<400x128xf32, #tpu.memory_space<vmem>>) attributes {dimension_semantics = [#tpu.dimension_semantics<arbitrary>], iteration_bounds = array<i64: 25>, scalar_prefetch = 0 : i64, scratch_operands = 0 : i64, tpu.core_type = #tpu.core_type<tc>, window_params = [{transform_indices = @transform_0, window_bounds = array<i64: 6400, 128>}, {transform_indices = @transform_1, window_bounds = array<i64: 400, 128>}, {pipeline_mode = #tpu.pipeline_mode<synchronous>, transform_indices = @transform_2, window_bounds = array<i64: 128, 32>}, {pipeline_mode = #tpu.pipeline_mode<synchronous>, transform_indices = @transform_3, window_bounds = array<i64: 1, 32>}, {pipeline_mode = #tpu.pipeline_mode<synchronous>, transform_indices = @transform_4, window_bounds = array<i64: 32, 128>}, {pipeline_mode = #tpu.pipeline_mode<synchronous>, transform_indices = @transform_5, window_bounds = array<i64: 1, 128>}, {pipeline_mode = #tpu.pipeline_mode<synchronous>, transform_indices = @transform_6, window_bounds = array<i64: 128, 128>}, {pipeline_mode = #tpu.pipeline_mode<synchronous>, transform_indices = @transform_7, window_bounds = array<i64: 1, 128>}, {pipeline_mode = #tpu.pipeline_mode<synchronous>, transform_indices = @transform_8, window_bounds = array<i64: 128, 128>}, {pipeline_mode = #tpu.pipeline_mode<synchronous>, transform_indices = @transform_9, window_bounds = array<i64: 1, 128>}, {pipeline_mode = #tpu.pipeline_mode<synchronous>, transform_indices = @transform_10, window_bounds = array<i64: 128, 128>}, {pipeline_mode = #tpu.pipeline_mode<synchronous>, transform_indices = @transform_11, window_bounds = array<i64: 1, 128>}, {pipeline_mode = #tpu.pipeline_mode<synchronous>, transform_indices = @transform_12, window_bounds = array<i64: 128, 128>}, {pipeline_mode = #tpu.pipeline_mode<synchronous>, transform_indices = @transform_13, window_bounds = array<i64: 1, 128>}, {transform_indices = @transform_14, window_bounds = array<i64: 400, 128>}]} {
    %get3A = arith.constant 0 : index
    %get3A_0 = arith.constant 0 : index
    %get3A_1 = vector.load %arg1[%get3A, %get3A_0] : memref<6400x128xi32, #tpu.memory_space<vmem>>, vector<6400x128xi32>
    %bitcast_convert_type3A = tpu.bitcast %get3A_1 : vector<6400x128xi32> -> vector<6400x128xi32>
    %shift_left3A = arith.constant 16 : i32
    %shift_left3A_2 = vector.broadcast %shift_left3A : i32 to vector<6400x128xi32>
    %shift_left3A_3 = arith.shli %bitcast_convert_type3A, %shift_left3A_2 : vector<6400x128xi32>
    %bitcast_convert_type3A_4 = tpu.bitcast %shift_left3A_3 : vector<6400x128xi32> -> vector<6400x128xf32>
    %shift_right_logical3A = arith.constant 16 : i32
    %shift_right_logical3A_5 = vector.broadcast %shift_right_logical3A : i32 to vector<6400x128xi32>
    %shift_right_logical3A_6 = arith.shrui %bitcast_convert_type3A, %shift_right_logical3A_5 : vector<6400x128xi32>
    %shift_left3A_7 = arith.constant 16 : i32
    %shift_left3A_8 = vector.broadcast %shift_left3A_7 : i32 to vector<6400x128xi32>
    %shift_left3A_9 = arith.shli %shift_right_logical3A_6, %shift_left3A_8 : vector<6400x128xi32>
    %bitcast_convert_type3A_10 = tpu.bitcast %shift_left3A_9 : vector<6400x128xi32> -> vector<6400x128xf32>
    %get3A_11 = arith.constant 0 : index
    %get3A_12 = arith.constant 0 : index
    %get3A_13 = vector.load %arg2[%get3A_11, %get3A_12] : memref<400x128xi32, #tpu.memory_space<vmem>>, vector<400x128xi32>
    %bitcast_convert_type3A_14 = tpu.bitcast %get3A_13 : vector<400x128xi32> -> vector<400x128xi32>
    %shift_left3A_15 = arith.constant 16 : i32
    %shift_left3A_16 = vector.broadcast %shift_left3A_15 : i32 to vector<400x128xi32>
    %shift_left3A_17 = arith.shli %bitcast_convert_type3A_14, %shift_left3A_16 : vector<400x128xi32>
    %bitcast_convert_type3A_18 = tpu.bitcast %shift_left3A_17 : vector<400x128xi32> -> vector<400x128xf32>
    %shift_right_logical3A_19 = arith.constant 16 : i32
    %shift_right_logical3A_20 = vector.broadcast %shift_right_logical3A_19 : i32 to vector<400x128xi32>
    %shift_right_logical3A_21 = arith.shrui %bitcast_convert_type3A_14, %shift_right_logical3A_20 : vector<400x128xi32>
    %shift_left3A_22 = arith.constant 16 : i32
    %shift_left3A_23 = vector.broadcast %shift_left3A_22 : i32 to vector<400x128xi32>
    %shift_left3A_24 = arith.shli %shift_right_logical3A_21, %shift_left3A_23 : vector<400x128xi32>
    %bitcast_convert_type3A_25 = tpu.bitcast %shift_left3A_24 : vector<400x128xi32> -> vector<400x128xf32>
    %slice3A = vector.extract_strided_slice %bitcast_convert_type3A_25 {offsets = [0, 64], sizes = [400, 64], strides = [1, 1]} : vector<400x128xf32> to vector<400x64xf32>
    %slice3A_26 = vector.extract_strided_slice %bitcast_convert_type3A_25 {offsets = [0, 0], sizes = [400, 64], strides = [1, 1]} : vector<400x128xf32> to vector<400x64xf32>
    %concatenate3A = tpu.concatenate %slice3A, %slice3A_26 in 1 : vector<400x64xf32>, vector<400x64xf32> -> vector<400x128xf32>
    %reshape3A = vector.shape_cast %bitcast_convert_type3A_10 : vector<6400x128xf32> to vector<400x16x128xf32>
    %broadcast_in_dim3A = vector.shape_cast %concatenate3A : vector<400x128xf32> to vector<400x1x128xf32>
    %mul3A = vector.broadcast %broadcast_in_dim3A : vector<400x1x128xf32> to vector<400x16x128xf32>
    %mul3A_27 = arith.mulf %reshape3A, %mul3A : vector<400x16x128xf32>
    %broadcast_in_dim3A_28 = vector.shape_cast %bitcast_convert_type3A_25 : vector<400x128xf32> to vector<400x1x128xf32>
    %mul3A_29 = vector.broadcast %broadcast_in_dim3A_28 : vector<400x1x128xf32> to vector<400x16x128xf32>
    %mul3A_30 = arith.mulf %reshape3A, %mul3A_29 : vector<400x16x128xf32>
    %slice3A_31 = vector.extract_strided_slice %mul3A_27 {offsets = [0, 0, 64], sizes = [400, 16, 64], strides = [1, 1, 1]} : vector<400x16x128xf32> to vector<400x16x64xf32>
    %slice3A_32 = vector.extract_strided_slice %mul3A_27 {offsets = [0, 0, 0], sizes = [400, 16, 64], strides = [1, 1, 1]} : vector<400x16x128xf32> to vector<400x16x64xf32>
    %concatenate3A_33 = tpu.concatenate %slice3A_31, %slice3A_32 in 2 : vector<400x16x64xf32>, vector<400x16x64xf32> -> vector<400x16x128xf32>
    %slice3A_34 = vector.extract_strided_slice %mul3A_30 {offsets = [0, 0, 64], sizes = [400, 16, 64], strides = [1, 1, 1]} : vector<400x16x128xf32> to vector<400x16x64xf32>
    %slice3A_35 = vector.extract_strided_slice %mul3A_30 {offsets = [0, 0, 0], sizes = [400, 16, 64], strides = [1, 1, 1]} : vector<400x16x128xf32> to vector<400x16x64xf32>
    %concatenate3A_36 = tpu.concatenate %slice3A_34, %slice3A_35 in 2 : vector<400x16x64xf32>, vector<400x16x64xf32> -> vector<400x16x128xf32>
    %iota3A = tpu.iota {dimensions = array<i32: 2>} : vector<400x16x128xi32>
    %lt3A = arith.constant 64 : i32
    %lt3A_37 = vector.broadcast %lt3A : i32 to vector<400x16x128xi32>
    %lt3A_38 = arith.cmpi slt, %iota3A, %lt3A_37 : vector<400x16x128xi32>
    %sub3A = arith.subf %mul3A_27, %concatenate3A_33 : vector<400x16x128xf32>
    %add3A = arith.addf %mul3A_30, %concatenate3A_36 : vector<400x16x128xf32>
    %select_n3A = arith.select %lt3A_38, %sub3A, %add3A : vector<400x16x128xi1>, vector<400x16x128xf32>
    %reshape3A_39 = vector.shape_cast %select_n3A : vector<400x16x128xf32> to vector<6400x128xf32>
    %convert_element_type3A = arith.truncf %reshape3A_39 : vector<6400x128xf32> to vector<6400x128xbf16>
    %get3A_40 = arith.constant 0 : index
    %get3A_41 = arith.constant 0 : index
    %get3A_42 = vector.load %arg3[%get3A_40, %get3A_41] : memref<128x32xbf16, #tpu.memory_space<vmem>>, vector<128x32xbf16>
    %dot_general3A = arith.constant dense<0.000000e+00> : vector<6400x32xf32>
    %dot_general3A_43 = tpu.matmul %convert_element_type3A, %get3A_42, %dot_general3A {dimension_numbers = #tpu.dot_dimension_numbers<[1], [0], [0], [1], [0, 0, 1, 1], [], []>, transpose_lhs_hint = false} : vector<6400x128xbf16>, vector<128x32xbf16>, vector<6400x32xf32> -> vector<6400x32xf32>
    %get3A_44 = arith.constant 0 : index
    %get3A_45 = arith.constant 0 : index
    %get3A_46 = vector.load %arg4[%get3A_44, %get3A_45] : memref<1x32xf32, #tpu.memory_space<vmem>>, vector<1x32xf32>
    %add3A_47 = vector.broadcast %get3A_46 : vector<1x32xf32> to vector<6400x32xf32>
    %add3A_48 = arith.addf %dot_general3A_43, %add3A_47 : vector<6400x32xf32>
    %max3A = arith.constant 0.000000e+00 : f32
    %max3A_49 = vector.broadcast %max3A : f32 to vector<6400x32xf32>
    %max3A_50 = arith.maximumf %add3A_48, %max3A_49 : vector<6400x32xf32>
    %convert_element_type3A_51 = arith.truncf %max3A_50 : vector<6400x32xf32> to vector<6400x32xbf16>
    %get3A_52 = arith.constant 0 : index
    %get3A_53 = arith.constant 0 : index
    %get3A_54 = vector.load %arg5[%get3A_52, %get3A_53] : memref<32x128xbf16, #tpu.memory_space<vmem>>, vector<32x128xbf16>
    %dot_general3A_55 = arith.constant dense<0.000000e+00> : vector<6400x128xf32>
    %dot_general3A_56 = tpu.matmul %convert_element_type3A_51, %get3A_54, %dot_general3A_55 {dimension_numbers = #tpu.dot_dimension_numbers<[1], [0], [0], [1], [0, 0, 1, 1], [], []>, transpose_lhs_hint = false} : vector<6400x32xbf16>, vector<32x128xbf16>, vector<6400x128xf32> -> vector<6400x128xf32>
    %get3A_57 = arith.constant 0 : index
    %get3A_58 = arith.constant 0 : index
    %get3A_59 = vector.load %arg6[%get3A_57, %get3A_58] : memref<1x128xf32, #tpu.memory_space<vmem>>, vector<1x128xf32>
    %add3A_60 = vector.broadcast %get3A_59 : vector<1x128xf32> to vector<6400x128xf32>
    %add3A_61 = arith.addf %dot_general3A_56, %add3A_60 : vector<6400x128xf32>
    %add3A_62 = arith.addf %bitcast_convert_type3A_4, %add3A_61 : vector<6400x128xf32>
    %convert_element_type3A_63 = arith.truncf %add3A_62 : vector<6400x128xf32> to vector<6400x128xbf16>
    %get3A_64 = arith.constant 0 : index
    %get3A_65 = arith.constant 0 : index
    %get3A_66 = vector.load %arg9[%get3A_64, %get3A_65] : memref<128x128xbf16, #tpu.memory_space<vmem>>, vector<128x128xbf16>
    %dot_general3A_67 = arith.constant dense<0.000000e+00> : vector<6400x128xf32>
    %dot_general3A_68 = tpu.matmul %convert_element_type3A_63, %get3A_66, %dot_general3A_67 {dimension_numbers = #tpu.dot_dimension_numbers<[1], [0], [0], [1], [0, 0, 1, 1], [], []>, transpose_lhs_hint = false} : vector<6400x128xbf16>, vector<128x128xbf16>, vector<6400x128xf32> -> vector<6400x128xf32>
    %get3A_69 = arith.constant 0 : index
    %get3A_70 = arith.constant 0 : index
    %get3A_71 = vector.load %arg10[%get3A_69, %get3A_70] : memref<1x128xf32, #tpu.memory_space<vmem>>, vector<1x128xf32>
    %add3A_72 = vector.broadcast %get3A_71 : vector<1x128xf32> to vector<6400x128xf32>
    %add3A_73 = arith.addf %dot_general3A_68, %add3A_72 : vector<6400x128xf32>
    %get3A_74 = arith.constant 0 : index
    %get3A_75 = arith.constant 0 : index
    %get3A_76 = vector.load %arg11[%get3A_74, %get3A_75] : memref<128x128xbf16, #tpu.memory_space<vmem>>, vector<128x128xbf16>
    %dot_general3A_77 = arith.constant dense<0.000000e+00> : vector<6400x128xf32>
    %dot_general3A_78 = tpu.matmul %convert_element_type3A_63, %get3A_76, %dot_general3A_77 {dimension_numbers = #tpu.dot_dimension_numbers<[1], [0], [0], [1], [0, 0, 1, 1], [], []>, transpose_lhs_hint = false} : vector<6400x128xbf16>, vector<128x128xbf16>, vector<6400x128xf32> -> vector<6400x128xf32>
    %get3A_79 = arith.constant 0 : index
    %get3A_80 = arith.constant 0 : index
    %get3A_81 = vector.load %arg12[%get3A_79, %get3A_80] : memref<1x128xf32, #tpu.memory_space<vmem>>, vector<1x128xf32>
    %add3A_82 = vector.broadcast %get3A_81 : vector<1x128xf32> to vector<6400x128xf32>
    %add3A_83 = arith.addf %dot_general3A_78, %add3A_82 : vector<6400x128xf32>
    %convert_element_type3A_84 = arith.truncf %bitcast_convert_type3A_18 : vector<400x128xf32> to vector<400x128xbf16>
    %get3A_85 = arith.constant 0 : index
    %get3A_86 = arith.constant 0 : index
    %get3A_87 = vector.load %arg7[%get3A_85, %get3A_86] : memref<128x128xbf16, #tpu.memory_space<vmem>>, vector<128x128xbf16>
    %dot_general3A_88 = arith.constant dense<0.000000e+00> : vector<400x128xf32>
    %dot_general3A_89 = tpu.matmul %convert_element_type3A_84, %get3A_87, %dot_general3A_88 {dimension_numbers = #tpu.dot_dimension_numbers<[1], [0], [0], [1], [0, 0, 1, 1], [], []>, transpose_lhs_hint = false} : vector<400x128xbf16>, vector<128x128xbf16>, vector<400x128xf32> -> vector<400x128xf32>
    %get3A_90 = arith.constant 0 : index
    %get3A_91 = arith.constant 0 : index
    %get3A_92 = vector.load %arg8[%get3A_90, %get3A_91] : memref<1x128xf32, #tpu.memory_space<vmem>>, vector<1x128xf32>
    %add3A_93 = vector.broadcast %get3A_92 : vector<1x128xf32> to vector<400x128xf32>
    %add3A_94 = arith.addf %dot_general3A_89, %add3A_93 : vector<400x128xf32>
    %broadcast_in_dim3A_95 = vector.shape_cast %add3A_94 : vector<400x128xf32> to vector<400x1x128xf32>
    %reshape3A_96 = vector.shape_cast %add3A_73 : vector<6400x128xf32> to vector<400x16x128xf32>
    %mul3A_97 = vector.broadcast %broadcast_in_dim3A_95 : vector<400x1x128xf32> to vector<400x16x128xf32>
    %mul3A_98 = arith.mulf %mul3A_97, %reshape3A_96 : vector<400x16x128xf32>
    %reduce_sum3A = arith.constant dense<0.000000e+00> : vector<400x16xf32>
    %reduce_sum3A_99 = vector.multi_reduction <add>, %mul3A_98, %reduce_sum3A [2] : vector<400x16x128xf32> to vector<400x16xf32>
    %reduce_max3A = arith.constant dense<0xFF800000> : vector<400xf32>
    %reduce_max3A_100 = vector.multi_reduction <maximumf>, %reduce_sum3A_99, %reduce_max3A [1] : vector<400x16xf32> to vector<400xf32>
    %broadcast_in_dim3A_101 = vector.shape_cast %reduce_max3A_100 : vector<400xf32> to vector<400x1xf32>
    %sub3A_102 = vector.broadcast %broadcast_in_dim3A_101 : vector<400x1xf32> to vector<400x16xf32>
    %sub3A_103 = arith.subf %reduce_sum3A_99, %sub3A_102 : vector<400x16xf32>
    %exp3A = math.exp %sub3A_103 : vector<400x16xf32>
    %reduce_sum3A_104 = arith.constant dense<0.000000e+00> : vector<400xf32>
    %reduce_sum3A_105 = vector.multi_reduction <add>, %exp3A, %reduce_sum3A_104 [1] : vector<400x16xf32> to vector<400xf32>
    %broadcast_in_dim3A_106 = vector.shape_cast %reduce_sum3A_105 : vector<400xf32> to vector<400x1xf32>
    %div3A = arith.constant 1.000000e+00 : f32
    %div3A_107 = vector.broadcast %div3A : f32 to vector<400x1xf32>
    %div3A_108 = arith.divf %div3A_107, %broadcast_in_dim3A_106 : vector<400x1xf32>
    %broadcast_in_dim3A_109 = vector.shape_cast %exp3A : vector<400x16xf32> to vector<400x16x1xf32>
    %reshape3A_110 = vector.shape_cast %add3A_83 : vector<6400x128xf32> to vector<400x16x128xf32>
    %mul3A_111 = vector.broadcast %broadcast_in_dim3A_109 : vector<400x16x1xf32> to vector<400x16x128xf32>
    %mul3A_112 = arith.mulf %mul3A_111, %reshape3A_110 : vector<400x16x128xf32>
    %reduce_sum3A_113 = arith.constant dense<0.000000e+00> : vector<400x128xf32>
    %reduce_sum3A_114 = vector.multi_reduction <add>, %mul3A_112, %reduce_sum3A_113 [1] : vector<400x16x128xf32> to vector<400x128xf32>
    %mul3A_115 = vector.broadcast %div3A_108 : vector<400x1xf32> to vector<400x128xf32>
    %mul3A_116 = arith.mulf %reduce_sum3A_114, %mul3A_115 : vector<400x128xf32>
    %convert_element_type3A_117 = arith.truncf %mul3A_116 : vector<400x128xf32> to vector<400x128xbf16>
    %get3A_118 = arith.constant 0 : index
    %get3A_119 = arith.constant 0 : index
    %get3A_120 = vector.load %arg13[%get3A_118, %get3A_119] : memref<128x128xbf16, #tpu.memory_space<vmem>>, vector<128x128xbf16>
    %dot_general3A_121 = arith.constant dense<0.000000e+00> : vector<400x128xf32>
    %dot_general3A_122 = tpu.matmul %convert_element_type3A_117, %get3A_120, %dot_general3A_121 {dimension_numbers = #tpu.dot_dimension_numbers<[1], [0], [0], [1], [0, 0, 1, 1], [], []>, transpose_lhs_hint = false} : vector<400x128xbf16>, vector<128x128xbf16>, vector<400x128xf32> -> vector<400x128xf32>
    %get3A_123 = arith.constant 0 : index
    %get3A_124 = arith.constant 0 : index
    %get3A_125 = vector.load %arg14[%get3A_123, %get3A_124] : memref<1x128xf32, #tpu.memory_space<vmem>>, vector<1x128xf32>
    %add3A_126 = vector.broadcast %get3A_125 : vector<1x128xf32> to vector<400x128xf32>
    %add3A_127 = arith.addf %dot_general3A_122, %add3A_126 : vector<400x128xf32>
    %swap3A = arith.constant 0 : index
    %swap3A_128 = arith.constant 0 : index
    %swap3A_129 = vector.load %arg15[%swap3A, %swap3A_128] : memref<400x128xf32, #tpu.memory_space<vmem>>, vector<400x128xf32>
    tpu.vector_store %arg15[%swap3A, %swap3A_128], %add3A_127 {strides = array<i32>} : memref<400x128xf32, #tpu.memory_space<vmem>>, vector<400x128xf32>,
    return
  }
  func.func @transform_0(%arg0: i32) -> (i32, i32) {
    %c0_i32 = arith.constant 0 : i32
    %c0_i32_0 = arith.constant 0 : i32
    return %arg0, %c0_i32 : i32, i32
  }
  func.func @transform_1(%arg0: i32) -> (i32, i32) {
    %c0_i32 = arith.constant 0 : i32
    %c0_i32_0 = arith.constant 0 : i32
    return %arg0, %c0_i32 : i32, i32
  }
  func.func @transform_2(%arg0: i32) -> (i32, i32) {
    %c0_i32 = arith.constant 0 : i32
    %c0_i32_0 = arith.constant 0 : i32
    %c0_i32_1 = arith.constant 0 : i32
    return %c0_i32, %c0_i32_0 : i32, i32
  }
  func.func @transform_3(%arg0: i32) -> (i32, i32) {
    %c0_i32 = arith.constant 0 : i32
    %c0_i32_0 = arith.constant 0 : i32
    %c0_i32_1 = arith.constant 0 : i32
    return %c0_i32, %c0_i32_0 : i32, i32
  }
  func.func @transform_4(%arg0: i32) -> (i32, i32) {
    %c0_i32 = arith.constant 0 : i32
    %c0_i32_0 = arith.constant 0 : i32
    %c0_i32_1 = arith.constant 0 : i32
    return %c0_i32, %c0_i32_0 : i32, i32
  }
  func.func @transform_5(%arg0: i32) -> (i32, i32) {
    %c0_i32 = arith.constant 0 : i32
    %c0_i32_0 = arith.constant 0 : i32
    %c0_i32_1 = arith.constant 0 : i32
    return %c0_i32, %c0_i32_0 : i32, i32
  }
  func.func @transform_6(%arg0: i32) -> (i32, i32) {
    %c0_i32 = arith.constant 0 : i32
    %c0_i32_0 = arith.constant 0 : i32
    %c0_i32_1 = arith.constant 0 : i32
    return %c0_i32, %c0_i32_0 : i32, i32
  }
  func.func @transform_7(%arg0: i32) -> (i32, i32) {
    %c0_i32 = arith.constant 0 : i32
    %c0_i32_0 = arith.constant 0 : i32
    %c0_i32_1 = arith.constant 0 : i32
    return %c0_i32, %c0_i32_0 : i32, i32
  }
  func.func @transform_8(%arg0: i32) -> (i32, i32) {
    %c0_i32 = arith.constant 0 : i32
    %c0_i32_0 = arith.constant 0 : i32
    %c0_i32_1 = arith.constant 0 : i32
    return %c0_i32, %c0_i32_0 : i32, i32
  }
  func.func @transform_9(%arg0: i32) -> (i32, i32) {
    %c0_i32 = arith.constant 0 : i32
    %c0_i32_0 = arith.constant 0 : i32
    %c0_i32_1 = arith.constant 0 : i32
    return %c0_i32, %c0_i32_0 : i32, i32
  }
  func.func @transform_10(%arg0: i32) -> (i32, i32) {
    %c0_i32 = arith.constant 0 : i32
    %c0_i32_0 = arith.constant 0 : i32
    %c0_i32_1 = arith.constant 0 : i32
    return %c0_i32, %c0_i32_0 : i32, i32
  }
  func.func @transform_11(%arg0: i32) -> (i32, i32) {
    %c0_i32 = arith.constant 0 : i32
    %c0_i32_0 = arith.constant 0 : i32
    %c0_i32_1 = arith.constant 0 : i32
    return %c0_i32, %c0_i32_0 : i32, i32
  }
  func.func @transform_12(%arg0: i32) -> (i32, i32) {
    %c0_i32 = arith.constant 0 : i32
    %c0_i32_0 = arith.constant 0 : i32
    %c0_i32_1 = arith.constant 0 : i32
    return %c0_i32, %c0_i32_0 : i32, i32
  }
  func.func @transform_13(%arg0: i32) -> (i32, i32) {
    %c0_i32 = arith.constant 0 : i32
    %c0_i32_0 = arith.constant 0 : i32
    %c0_i32_1 = arith.constant 0 : i32
    return %c0_i32, %c0_i32_0 : i32, i32
  }
  func.func @transform_14(%arg0: i32) -> (i32, i32) {
    %c0_i32 = arith.constant 0 : i32
    %c0_i32_0 = arith.constant 0 : i32
    return %arg0, %c0_i32 : i32, i32
  }
}

</mosaic_0001>

<sc_bundles>
// kernel: kernel.10.cloned.1.call-start
scs
__scs_entry_jumppad:
0x0: {  	(pc) =	sbr.rel $0x88, $3  }
0x1: {  	(tag) =	ssettag $0x0;
	lr =	simm.s32 $0x1  }
0x2: {  	[smem:$0x3F91] =	sst lr;
	_ =	strace $0xD0000000  }
0x3: {  	_ = 	snop  }
0x4: {  	_ = 	snop  }
0x5: {  	_ = 	snop  }
0x6: {  	_ = 	snop  }
0x7: {  	_ = 	snop  }
__scs_overlays_trampoline_lowered:
0x8: {  	[smem:$0x3FA0] =	sst s0  }
0x9: {  	[smem:$0x3FA1] =	sst s1  }
0xa: {  	[smem:$0x3FA2] =	sst s2  }
0xb: {  	[smem:$0x3FA3] =	sst s3  }
0xc: {  	[smem:$0x3FA4] =	sst s4  }
0xd: {  	[smem:$0x3FA5] =	sst s5  }
0xe: {  	[smem:$0x3FA6] =	sst s6  }
0xf: {  	[smem:$0x3FA7] =	sst s7  }
0x10: {  	[smem:$0x3FA8] =	sst s8  }
0x11: {  	[smem:$0x3FA9] =	sst s9;
	s0 =	simm.s32 @!p0 $0x0  }
0x12: {  	s1 =	sld [smem:$0x3F8F];
	s0 =	simm.s32 @p0 $0x1  }
0x13: {  	[smem:$0x3FAA] =	sst s0;
	s0 =	simm.s32 @!p1 $0x0  }
0x14: {  	s2 =	sld [smem:$0x3F8E];
	s0 =	simm.s32 @p1 $0x1  }
0x15: {  	[smem:$0x3FAB] =	sst s0;
	s0 =	simm.s32 @!p2 $0x0  }
0x16: {  	s3 =	sld [smem:$0x3FDB];
	s0 =	simm.s32 @p2 $0x1  }
0x17: {  	s4 =	simm.s32 $0x1BF5;
	[smem:$0x3FAD] =	sst s0  }
0x18: {  	s0 =	sld [smem:$0x3F90];
	_ =	swait.ge [sflag:s4], $0x0  }
0x19: {  	s7 =	sld [smem:$0x3F91]  }
0x1a: {  	s8 =	sadd.s32 $0xFFFFE003, lr  }
0x1b: {  	s9 =	sadd.s32 $0xFFFFFEF7, lr;
	s5 =	simm.s32 $0xFFFFFFFF;
	p2 =	slt.u32 s8, $0xFFFFF086  }
0x1c: {  	p1 =	slt.u32 s9, $0xF7A;
	s5 =	simm.s32 @!p2 $0x0  }
0x1d: {  	s5 =	simm.s32 @p1 $0x1;
	p0 =	seq.s32 s7, s2  }
0x1e: {  	s7 =	smul.u32 @!p0 $0xF7A, s2;
	p2 =	seq.s32 @!p0 s5, $0x0  }
0x1f: {  	s9 =	smul.u32 $0xF7A, s1;
	s8 =	simm.s32 @!p0 $0x1BF5;
	p2 =	por !p2, p0  }
0x20: {  	[sflag:s8] =	ssyncset.s32 @!p0 $0xFFFFF086;
	s6 =	sadd.s32 @!p0 s3, s7;
	s7 =	simm.s32 @!p0 $0x108  }
0x21: {  	s3 =	sadd.s32 s3, s9;
	s6 =	sadd.s32 @!p0 $0x88, s6;
	s7 =	simm.s32 @p2 $0x1082  }
0x22: {  	[simem:s7], [sflag:s8] =	dma.local @!p0 [hbm:s6], $0xF7A  }
0x23: {  	s9 =	sor.u32 $0xD0000000, s2;
	s6 =	simm.s32 $0x108;
	_ =	swait.ge @!p0 [sflag:s8], $0x0  }
0x24: {  	s3 =	sadd.s32 $0x88, s3;
	s6 =	simm.s32 @!p1 $0x1082;
	[sflag:s4] =	ssyncset.s32 $0xFFFFF086  }
0x25: {  	[simem:s6], [sflag:s4] =	dma.local [hbm:s3], $0xF7A  }
0x26: {  	[smem:$0x3F91] =	sst s1;
	(tag) =	ssettag s2;
	_ =	strace s9  }
0x27: {  	s1 =	sld [smem:$0x3FA1]  }
0x28: {  	s2 =	sld [smem:$0x3FA2]  }
0x29: {  	s4 =	sld [smem:$0x3FA4]  }
0x2a: {  	p0 =	seq.s32 s5, $0x0;
	s5 =	sld [smem:$0x3FA5]  }
0x2b: {  	s6 =	sld [smem:$0x3FA6]  }
0x2c: {  	s7 =	sld [smem:$0x3FA7]  }
0x2d: {  	s3 =	simm.s32 $0x108;
	s8 =	sld [smem:$0x3FA8]  }
0x2e: {  	s3 =	simm.s32 @!p0 $0x1082;
	s9 =	sld [smem:$0x3FA9]  }
0x2f: {  	lr =	sadd.s32 s0, s3;
	s0 =	sld [smem:$0x3FA0]  }
0x30: {  	s3 =	sld [smem:$0x3FA3]  }
0x31: {  	[smem:$0x3FAC] =	sst s10  }
0x32: {  	s10 =	sld [smem:$0x3FAA];
	_ =	sdelay $0x3  }
0x33: {  	p0 =	seq.s32 s10, $0x1;
	s10 =	sld [smem:$0x3FAC];
	_ =	sdelay $0x3  }
0x34: {  	[smem:$0x3FAC] =	sst s10  }
0x35: {  	s10 =	sld [smem:$0x3FAB];
	_ =	sdelay $0x3  }
0x36: {  	p1 =	seq.s32 s10, $0x1;
	s10 =	sld [smem:$0x3FAC];
	_ =	sdelay $0x3  }
0x37: {  	[smem:$0x3FAC] =	sst s10  }
0x38: {  	s10 =	sld [smem:$0x3FAD]  }
0x39: {  	_ = 	snop;
	(pc) =	sbr.ind lr, $3  }
0x3a: {  	_ = 	snop  }
0x3b: {  	_ = 	snop  }
0x3c: {  	p2 =	seq.s32 s10, $0x1;
	s10 =	sld [smem:$0x3FAC]  }
0x3d: {  	_ =	shalt  }
0x3e: {  	_ =	shalt  }
0x3f: {  	_ =	shalt  }
0x40: {  	_ =	shalt  }
0x41: {  	_ =	shalt  }
0x42: {  	_ =	shalt  }
0x43: {  	_ =	shalt  }
0x44: {  	_ =	shalt  }
0x45: {  	_ =	shalt  }
0x46: {  	_ =	shalt  }
0x47: {  	_ =	shalt  }
0x48: {  	_ =	shalt  }
0x49: {  	_ =	shalt  }
0x4a: {  	_ =	shalt  }
0x4b: {  	_ =	shalt  }
0x4c: {  	_ =	shalt  }
0x4d: {  	_ =	shalt  }
0x4e: {  	_ =	shalt  }
0x4f: {  	_ =	shalt  }
0x50: {  	_ =	shalt  }
0x51: {  	_ =	shalt  }
0x52: {  	_ =	shalt  }
0x53: {  	_ =	shalt  }
0x54: {  	_ =	shalt  }
0x55: {  	_ =	shalt  }
0x56: {  	_ =	shalt  }
0x57: {  	_ =	shalt  }
0x58: {  	_ =	shalt  }
0x59: {  	_ =	shalt  }
0x5a: {  	_ =	shalt  }
0x5b: {  	_ =	shalt  }
0x5c: {  	_ =	shalt  }
0x5d: {  	_ =	shalt  }
0x5e: {  	_ =	shalt  }
0x5f: {  	_ =	shalt  }
0x60: {  	_ =	shalt  }
0x61: {  	_ =	shalt  }
0x62: {  	_ =	shalt  }
0x63: {  	_ =	shalt  }
0x64: {  	_ =	shalt  }
0x65: {  	_ =	shalt  }
0x66: {  	_ =	shalt  }
0x67: {  	_ =	shalt  }
0x68: {  	_ =	shalt  }
0x69: {  	_ =	shalt  }
0x6a: {  	_ =	shalt  }
0x6b: {  	_ =	shalt  }
0x6c: {  	_ =	shalt  }
0x6d: {  	_ =	shalt  }
0x6e: {  	_ =	shalt  }
0x6f: {  	_ =	shalt  }
0x70: {  	_ =	shalt  }
0x71: {  	_ =	shalt  }
0x72: {  	_ =	shalt  }
0x73: {  	_ =	shalt  }
0x74: {  	_ =	shalt  }
0x75: {  	_ =	shalt  }
0x76: {  	_ =	shalt  }
0x77: {  	_ =	shalt  }
0x78: {  	_ =	shalt  }
0x79: {  	_ =	shalt  }
0x7a: {  	_ =	shalt  }
0x7b: {  	_ =	shalt  }
0x7c: {  	_ =	shalt  }
0x7d: {  	_ =	shalt  }
0x7e: {  	_ =	shalt  }
0x7f: {  	_ =	shalt  }
0x80: {  	_ =	shalt  }
0x81: {  	_ =	shalt  }
0x82: {  	_ =	shalt  }
0x83: {  	_ =	shalt  }
0x84: {  	_ =	shalt  }
0x85: {  	_ =	shalt  }
0x86: {  	_ =	shalt  }
0x87: {  	_ =	shalt  }
.Lfunc_end0:
.L_simem_size_0:
called_computation.1_lowered:
.L_overlay_start_0:
0x88: {  	s2 =	sld [smem:$0x3FD9]  }
0x89: {  	s3 =	sld [smem:$0x3FFE];
	_ =	sdelay $0x1  }
0x8a: {  	s1 =	srdreg.scid  }
0x8b: {  	s0 =	sand.u32 $0x1, s1  }
0x8c: {  	s17 =	sshll.u32 s0, $0xA;
	s2 =	sadd.s32 s3, s2  }
0x8d: {  	s2 =	sadd.s32 s2, s17  }
0x8e: {  	[smem:$0x3FB8] =	sst s2  }
0x8f: {  	_ = 	snop  }
0x90: {  	s18 =	sld [smem:$0x3FD0];
	(tm) =	ssettm $0x1  }
0x91: {  	s19 =	sld [smem:$0x3FFB];
	_ =	sdelay $0x3  }
0x92: {  	_ =	strace s19  }
0x93: {  	s2 =	sld [smem:$0x3FFC];
	_ =	sdelay $0x3  }
0x94: {  	_ =	strace s2  }
0x95: {  	s2 =	sld [smem:$0x3FFD];
	_ =	sdelay $0x3  }
0x96: {  	_ =	strace s2  }
0x97: {  	_ =	strace $0x8FFFFFFF  }
0x98: {  	s20 =	sld [smem:$0x3FDB];
	_ =	sdelay $0x1  }
0x99: {  	s4 =	simm.s32 $_scs_section_size  }
0x9a: {  	s5 =	simm.s32 $_size__tile_overlayer_lowered;
	s6 =	simm.s32 $_tile_overlayer_lowered  }
0x9b: {  	s7 =	simm.s32 $0x1BFF;
	s21 =	sshll.u32 s6, $0x1;
	s4 =	sadd.s32 s4, s20  }
0x9c: {  	s22 =	simm.s32 $0x0;
	s5 =	sshll.u32 s5, $0x1;
	s6 =	sadd.s32 s21, s4  }
0x9d: {  	[timem:s22], [sflag:s7] =	dma.local [hbm:s6], s5  }
0x9e: {  	_ =	swait.ge [sflag:s7], s5  }
0x9f: {  	s5 =	ssub.s32 $0x0, s5;
	[sflag:s7] =	ssyncset.done $0x0  }
0xa0: {  	[sflag:s7] =	ssyncadd.s32 s5;
	_ =	sdelay $0x1  }
0xa1: {  	s23 =	simm.s32 $0x1B8B  }
0xa2: {  	_ =	swait.ge [sflag:s23], $0x1  }
0xa3: {  	[sflag:s23] =	ssyncset.done $0x0  }
0xa4: {  	[sflag:s23] =	ssyncadd.s32 $0xFFFFFFFF  }
0xa5: {  	s5 =	sld [smem:$0x0]  }
0xa6: {  	s6 =	sand.u32 $0xFFFFFFFE, s1  }
0xa7: {  	p0 =	sne.s32 s1, s6  }
0xa8: {  	s6 =	sshll.u32 @p0 s6, $0xE  }
0xa9: {  	s6 =	sadd.s32 @p0 $0x11B8D, s6;
	s7 =	sshll.u32 @p0 s5, $0x11  }
0xaa: {  	s6 =	sor.u32 @p0 s7, s6  }
0xab: {  	[sflag:s6] =	ssyncadd.remote.s32 @p0 $0x1;
	_ =	sdelay $0x1  }
0xac: {  	s6 =	simm.s32 @p0 $0x1B8D  }
0xad: {  	_ =	swait.eq @p0 [sflag:s6], $0x1  }
0xae: {  	[sflag:s6] =	ssyncadd.s32 @p0 $0xFFFFFFFF  }
0xaf: {  	s7 =	sshll.u32 @!p0 s1, $0xE  }
0xb0: {  	s7 =	sor.u32 @!p0 $0x4000, s7;
	s6 =	simm.s32 @!p0 $0x1B8D  }
0xb1: {  	s5 =	sshll.u32 @!p0 s5, $0x11;
	s7 =	sadd.s32 @!p0 $0x11B8D, s7;
	_ =	swait.eq @!p0 [sflag:s6], $0x1  }
0xb2: {  	s5 =	sor.u32 @!p0 s5, s7;
	[sflag:s6] =	ssyncadd.s32 @!p0 $0xFFFFFFFF  }
0xb3: {  	s25 =	simm.s32 $0x1B8E;
	s24 =	sld [smem:$0x3FFE];
	[sflag:s5] =	ssyncadd.remote.s32 @!p0 $0x1  }
0xb4: {  	s26 =	simm.s32 $execute0_lowered;
	[smem:$0x3FD2] =	sst s25  }
0xb5: {  	s6 =	sshll.u32 s26, $0x1;
	_ =	strace $0x80000049;
	[dreg:$0x1] =	wrdreg $0xFFFFFFFF  }
0xb6: {  	s28 =	simm.s32 $_size_execute0_lowered;
	s4 =	sadd.s32 s4, s6;
	[dreg:$0x0] =	wrdreg $0x0  }
0xb7: {  	s6 =	sshll.u32 s28, $0x1;
	[dreg:$0x2] =	wrdreg s4  }
0xb8: {  	[dreg:$0x3] =	wrdreg s6  }
0xb9: {  	[dreg:$0x4] =	wrdreg $0xC0  }
0xba: {  	_ =	task [dreg:s22], $0x5FFFF  }
0xbb: {  	[dreg:$0x1] =	wrdreg $0xFFFFFFFF  }
0xbc: {  	[dreg:$0x0] =	wrdreg $0x60  }
0xbd: {  	[dreg:$0x2] =	wrdreg s18  }
0xbe: {  	[dreg:$0x3] =	wrdreg s24  }
0xbf: {  	[dreg:$0x4] =	wrdreg $0xA  }
0xc0: {  	_ =	task.clear_ibuf [dreg:s22], $0x5FFFF;
	_ =	strace $0x90000049  }
0xc1: {  	s29 =	simm.s32 $0xA;
	_ =	strace $0x8000004B  }
0xc2: {  	_ =	swait.ge [sflag:s29], $0x1  }
0xc3: {  	[sflag:s29] =	ssyncadd.s32 $0xFFFFFFFF  }
0xc4: {  	_ =	strace $0x9000004B  }
0xc5: {  	_ =	sfence  }
0xc6: {  	s30 =	sld [smem:$0x0];
	_ =	sdelay $0x2  }
0xc7: {  	s31 =	sshll.u32 s1, $0xD;
	s1 =	sshrl.u32 s1, $0x2  }
0xc8: {  	s4 =	sand.u32 $0x4000, s31;
	s1 =	sadd.s32 s1, s30  }
0xc9: {  	s0 =	sor.u32 s4, s0;
	s1 =	sshll.u32 s1, $0x11  }
0xca: {  	s0 =	sor.u32 s1, s0  }
0xcb: {  	s0 =	sadd.s32 $0x8F2B, s0  }
0xcc: {  	[sflag:s0] =	ssyncadd.remote.s32 $0x1  }
0xcd: {  	_ =	sfence.sel $0xFFFF  }
0xce: {  	[dreg:$0x0] =	wrdreg $0xFFFFFFFF;
	(pc) =	sbr.abs _section_cstart, $3  }
0xcf: {  	[dreg:$0x1] =	wrdreg $0xFFFFFFFF  }
0xd0: {  	_ =	task.clear_ibuf [dreg:s22], $0x2FFFF;
	_ =	strace $0x9FFFFFFF  }
0xd1: {  	(tm) =	ssettm $0x7FFFFFFF  }
tec
execute0_lowered:
.L_overlay_start_1:
0x0: {  	(tag) =	ssettag $0x1  }
0x1: {  	s1 =	srdreg.scid;
	s2 =	rddreg [dreg:$0x0]  }
0x2: {  	s0 =	stileid.u32;
	s5 =	rddreg [dreg:$0x1];
	s3 =	simm.s32 $0x0  }
0x3: {  	s15 =	simm.s32 $0x6590;
	s16 =	simm.s32 $0x1;
	s17 =	simm.s32 $0x2  }
0x4: {  	s18 =	simm.s32 $0x0;
	s8 =	sand.u32 $0x1, s1;
	s10 =	smul.u32 $0x2710, s0  }
0x5: {  	s24 =	sshll.u32 s0, $0x1;
	s1 =	rddreg [dreg:$0x2];
	s30 =	smul.u32 $0x27100, s0  }
0x6: {  	[smem:$0x7FF] =	sst s3;
	s13 =	sadd.s32 $0x27EA00, s5;
	s12 =	smul.u32 $0x1388, s8  }
0x7: {  	s4 =	sor.u32 s8, s24;
	s9 =	ssub.s32 $0x2, s8;
	s14 =	smul.u32 $0x13880, s8  }
0x8: {  	_ =	strace $0x8000004A;
	s6 =	smul.u32 $0x1388, s4;
	s11 =	sshrl.u32 s9, $0x1  }
0x9: {  	s7 =	smul.u32 $0x9C400, s4;
	s4 =	sadd.s32 $0x279A00, s5;
	s9 =	ssub.s32 s9, s11  }
0xa: {  	s10 =	sadd.s32 s12, s10;
	s12 =	sadd.s32 s30, s13;
	s25 =	sshrl.u32 s6, $0x3  }
0xb: {  	s26 =	sshrl.u32 s7, $0x3;
	s28 =	sadd.s32 $0xC8, s10;
	s7 =	smax.u32 s9, $0x1  }
0xc: {  	s8 =	sadd.s32 $0x190, s10;
	s11 =	sadd.s32 s14, s12;
	s12 =	simm.s32 $0x3  }
0xd: {  	s14 =	simm.s32 $0x190;
	s6 =	sadd.s32 s13, s26;
	s29 =	sshrl.u32 s28, $0x3  }
0xe: {  	s5 =	sadd.s32 s4, s25;
	s6 =	sadd.s32 $0x12C00, s6;
	s31 =	sshll.u32 s29, $0x7  }
0xf: {  	s10 =	sadd.s32 s29, s4;
	s9 =	sadd.s32 s31, s13;
	s13 =	simm.s32 $0xC8  }
.LBB2_1:
0x10: {  	[tilespmem:s3], [sflag:$0x3] =	stream.linear.gather [hbm4b:s5+s3], $0xC8, $0x38;
	[tilespmem:$0xC990] =	vst v63  }
0x11: {  	_ =	swait.ge [sflag:s12], $0xC8  }
0x12: {  	[sflag:s12] =	ssyncset.done $0x0  }
0x13: {  	[sflag:s12] =	ssyncadd.s32 $0xFFFFFF38  }
0x14: {  	[tilespmem:s14], [sflag:$0x1] =	stream.indirect.gather [hbm4b:s2+s13], $0x80, s3, s13, $0xb8;
	[tilespmem:$0xC990] =	vst v63  }
0x15: {  	_ = 	snop  }
0x16: {  	[tilespmem:s13], [sflag:$0x3] =	stream.linear.gather [hbm4b:s10+s3], $0xC8, $0x38;
	[tilespmem:$0xC990] =	vst v63  }
0x17: {  	_ =	swait.ge [sflag:s12], $0xC8  }
0x18: {  	[sflag:s12] =	ssyncset.done $0x0  }
0x19: {  	[sflag:s12] =	ssyncadd.s32 $0xFFFFFF38  }
0x1a: {  	[tilespmem:s15], [sflag:$0x2] =	stream.indirect.gather [hbm4b:s2+s13], $0x80, s13, s13, $0xb8;
	[tilespmem:$0xC990] =	vst v63  }
0x1b: {  	_ =	swait.ge [sflag:s16], $0x6400  }
0x1c: {  	[sflag:s16] =	ssyncset.done $0x0  }
0x1d: {  	s19 =	sadd.s32 $0x0, s11;
	[sflag:s16] =	ssyncadd.s32 $0xFFFF9C00  }
0x1e: {  	[hbm4b:s19+s3] =	stream.linear.scatter [tilespmem:s14], [sflag:$0x3], $0x6400, $0x38;
	[tilespmem:$0xC990] =	vst v63  }
0x1f: {  	_ =	swait.ge [sflag:s12], $0x6400  }
0x20: {  	s30 =	sshrl.u32 s8, $0x3;
	[sflag:s12] =	ssyncset.done $0x0  }
0x21: {  	s19 =	sadd.s32 s4, s30;
	[sflag:s12] =	ssyncadd.s32 $0xFFFF9C00  }
0x22: {  	[tilespmem:s3], [sflag:$0x3] =	stream.linear.gather [hbm4b:s19+s3], $0xC8, $0x38;
	[tilespmem:$0xC990] =	vst v63  }
0x23: {  	_ =	swait.ge [sflag:s12], $0xC8  }
0x24: {  	[sflag:s12] =	ssyncset.done $0x0  }
0x25: {  	[sflag:s12] =	ssyncadd.s32 $0xFFFFFF38  }
0x26: {  	[tilespmem:s14], [sflag:$0x1] =	stream.indirect.gather [hbm4b:s2+s13], $0x80, s3, s13, $0xb8;
	[tilespmem:$0xC990] =	vst v63  }
0x27: {  	_ =	swait.ge [sflag:s17], $0x6400  }
0x28: {  	[sflag:s17] =	ssyncset.done $0x0  }
0x29: {  	s31 =	sadd.s32 $0x0, s9;
	[sflag:s17] =	ssyncadd.s32 $0xFFFF9C00  }
0x2a: {  	[hbm4b:s31+s3] =	stream.linear.scatter [tilespmem:s15], [sflag:$0x3], $0x6400, $0x38;
	[tilespmem:$0xC990] =	vst v63  }
0x2b: {  	s20 =	smov.u32 s8;
	_ =	swait.ge [sflag:s12], $0x6400  }
0x2c: {  	s21 =	smov.u32 s10;
	s19 =	simm.s32 $0x1900;
	[sflag:s12] =	ssyncset.done $0x0  }
.LBB2_2:
0x2d: {  	[sflag:s12] =	ssyncadd.s32 $0xFFFF9C00  }
0x2e: {  	s20 =	sadd.s32 $0x190, s20;
	s21 =	sadd.s32 $0x32, s21;
	s22 =	smov.u32 s19  }
0x2f: {  	[tilespmem:s13], [sflag:$0x3] =	stream.linear.gather [hbm4b:s21+s3], $0xC8, $0x38;
	[tilespmem:$0xC990] =	vst v63  }
0x30: {  	p0 =	sne.s32 s19, $0x11300;
	s19 =	sadd.s32 $0x1900, s19;
	_ =	swait.ge [sflag:s12], $0xC8  }
0x31: {  	[sflag:s12] =	ssyncset.done $0x0  }
0x32: {  	[sflag:s12] =	ssyncadd.s32 $0xFFFFFF38  }
0x33: {  	[tilespmem:s15], [sflag:$0x2] =	stream.indirect.gather [hbm4b:s2+s13], $0x80, s13, s13, $0xb8;
	[tilespmem:$0xC990] =	vst v63  }
0x34: {  	_ =	swait.ge [sflag:s16], $0x6400  }
0x35: {  	[sflag:s16] =	ssyncset.done $0x0  }
0x36: {  	s23 =	sadd.s32 s22, s11;
	[sflag:s16] =	ssyncadd.s32 $0xFFFF9C00  }
0x37: {  	[hbm4b:s23+s3] =	stream.linear.scatter [tilespmem:s14], [sflag:$0x3], $0x6400, $0x38;
	[tilespmem:$0xC990] =	vst v63  }
0x38: {  	_ =	swait.ge [sflag:s12], $0x6400  }
0x39: {  	s23 =	sshrl.u32 s20, $0x3;
	[sflag:s12] =	ssyncset.done $0x0  }
0x3a: {  	s23 =	sadd.s32 s4, s23;
	[sflag:s12] =	ssyncadd.s32 $0xFFFF9C00  }
0x3b: {  	[tilespmem:s3], [sflag:$0x3] =	stream.linear.gather [hbm4b:s23+s3], $0xC8, $0x38;
	[tilespmem:$0xC990] =	vst v63  }
0x3c: {  	_ =	swait.ge [sflag:s12], $0xC8  }
0x3d: {  	[sflag:s12] =	ssyncset.done $0x0  }
0x3e: {  	[sflag:s12] =	ssyncadd.s32 $0xFFFFFF38  }
0x3f: {  	[tilespmem:s14], [sflag:$0x1] =	stream.indirect.gather [hbm4b:s2+s13], $0x80, s3, s13, $0xb8;
	[tilespmem:$0xC990] =	vst v63  }
0x40: {  	_ =	swait.ge [sflag:s17], $0x6400  }
.Ltmp0:
0x41: {  	[sflag:s17] =	ssyncset.done $0x0;
	(pc) =	sbr.rel @p0 .LBB2_2-.Ltmp0, $4  }
0x42: {  	s22 =	sadd.s32 s22, s9;
	[sflag:s17] =	ssyncadd.s32 $0xFFFF9C00  }
0x43: {  	[hbm4b:s22+s3] =	stream.linear.scatter [tilespmem:s15], [sflag:$0x3], $0x6400, $0x38;
	[tilespmem:$0xC990] =	vst v63  }
0x44: {  	_ =	swait.ge [sflag:s12], $0x6400  }
0x45: {  	[sflag:s12] =	ssyncset.done $0x0  }
0x46: {  	[sflag:s12] =	ssyncadd.s32 $0xFFFF9C00  }
0x47: {  	s18 =	sadd.s32 $0x1, s18;
	_ =	swait.ge [sflag:s16], $0x6400  }
0x48: {  	p0 =	sne.s32 s18, s7;
	[sflag:s16] =	ssyncset.done $0x0  }
.Ltmp1:
0x49: {  	[sflag:s16] =	ssyncadd.s32 $0xFFFF9C00;
	(pc) =	sbr.rel @p0 .LBB2_1-.Ltmp1, $4  }
0x4a: {  	[hbm4b:s6+s3] =	stream.linear.scatter [tilespmem:s14], [sflag:$0x3], $0x6400, $0x38;
	[tilespmem:$0xC990] =	vst v63  }
0x4b: {  	_ =	swait.ge [sflag:s12], $0x6400  }
0x4c: {  	[sflag:s12] =	ssyncset.done $0x0  }
0x4d: {  	[sflag:s12] =	ssyncadd.s32 $0xFFFF9C00  }
0x4e: {  	_ =	sfence.sel $0x180000  }
0x4f: {  	[bflag:$0x0] =	sbarrier.arrive $0xFFFF  }
0x50: {  	p0 =	sne.s32 s0, $0x0;
	_ =	strace $0x9000004A  }
0x51: {  	s0 =	sadd.s32 @!p0 $0x100000, s1;
	[bflag:$0x2] =	sbarrier.arrive $0xFFFF  }
0x52: {  	[sflag:s0] =	ssyncadd.tile.s32 @!p0 $0x1;
	_ =	shalt  }
.Lfunc_end2:
_tile_overlayer_lowered:
.L_overlay_start_2:
0x53: {  	(tag) =	ssettag $0x2  }
0x54: {  	s0 =	rddreg [dreg:$0x0];
	s2 =	stileid.u32  }
0x55: {  	s1 =	rddreg [dreg:$0x1];
	p0 =	sne.s32 s2, $0x0  }
0x56: {  	s3 =	rddreg [dreg:$0x2];
	[bflag:$0x3] =	sbarrier.arrive $0xFFFF;
	s2 =	simm.s32 @!p0 $0x1C03  }
0x57: {  	[timem:s3], [sflag:s2] =	dma.local @!p0 [hbm:s0], s1  }
0x58: {  	s0 =	simm.s32 @!p0 $0x3  }
0x59: {  	_ =	swait.ge @!p0 [sflag:s0], s1  }
0x5a: {  	s1 =	ssub.s32 @!p0 $0x0, s1;
	[sflag:s0] =	ssyncset.done @!p0 $0x0  }
0x5b: {  	[sflag:s0] =	ssyncadd.s32 @!p0 s1  }
0x5c: {  	[bflag:$0x3] =	sbarrier.arrive $0xFFFF  }
0x5d: {  	_ =	shalt  }

// kernel: kernel.7.cloned.1.call-start
scs
__scs_entry_jumppad:
0x0: {  	(pc) =	sbr.rel $0x88, $3  }
0x1: {  	(tag) =	ssettag $0x0;
	lr =	simm.s32 $0x1  }
0x2: {  	[smem:$0x3F91] =	sst lr;
	_ =	strace $0xD0000000  }
0x3: {  	_ = 	snop  }
0x4: {  	_ = 	snop  }
0x5: {  	_ = 	snop  }
0x6: {  	_ = 	snop  }
0x7: {  	_ = 	snop  }
__scs_overlays_trampoline_lowered:
0x8: {  	[smem:$0x3FA0] =	sst s0  }
0x9: {  	[smem:$0x3FA1] =	sst s1  }
0xa: {  	[smem:$0x3FA2] =	sst s2  }
0xb: {  	[smem:$0x3FA3] =	sst s3  }
0xc: {  	[smem:$0x3FA4] =	sst s4  }
0xd: {  	[smem:$0x3FA5] =	sst s5  }
0xe: {  	[smem:$0x3FA6] =	sst s6  }
0xf: {  	[smem:$0x3FA7] =	sst s7  }
0x10: {  	[smem:$0x3FA8] =	sst s8  }
0x11: {  	[smem:$0x3FA9] =	sst s9;
	s0 =	simm.s32 @!p0 $0x0  }
0x12: {  	s1 =	sld [smem:$0x3F8F];
	s0 =	simm.s32 @p0 $0x1  }
0x13: {  	[smem:$0x3FAA] =	sst s0;
	s0 =	simm.s32 @!p1 $0x0  }
0x14: {  	s2 =	sld [smem:$0x3F8E];
	s0 =	simm.s32 @p1 $0x1  }
0x15: {  	[smem:$0x3FAB] =	sst s0;
	s0 =	simm.s32 @!p2 $0x0  }
0x16: {  	s3 =	sld [smem:$0x3FDB];
	s0 =	simm.s32 @p2 $0x1  }
0x17: {  	s4 =	simm.s32 $0x1BF5;
	[smem:$0x3FAD] =	sst s0  }
0x18: {  	s0 =	sld [smem:$0x3F90];
	_ =	swait.ge [sflag:s4], $0x0  }
0x19: {  	s7 =	sld [smem:$0x3F91]  }
0x1a: {  	s8 =	sadd.s32 $0xFFFFE003, lr  }
0x1b: {  	s9 =	sadd.s32 $0xFFFFFEF7, lr;
	s5 =	simm.s32 $0xFFFFFFFF;
	p2 =	slt.u32 s8, $0xFFFFF086  }
0x1c: {  	p1 =	slt.u32 s9, $0xF7A;
	s5 =	simm.s32 @!p2 $0x0  }
0x1d: {  	s5 =	simm.s32 @p1 $0x1;
	p0 =	seq.s32 s7, s2  }
0x1e: {  	s7 =	smul.u32 @!p0 $0xF7A, s2;
	p2 =	seq.s32 @!p0 s5, $0x0  }
0x1f: {  	s9 =	smul.u32 $0xF7A, s1;
	s8 =	simm.s32 @!p0 $0x1BF5;
	p2 =	por !p2, p0  }
0x20: {  	[sflag:s8] =	ssyncset.s32 @!p0 $0xFFFFF086;
	s6 =	sadd.s32 @!p0 s3, s7;
	s7 =	simm.s32 @!p0 $0x108  }
0x21: {  	s3 =	sadd.s32 s3, s9;
	s6 =	sadd.s32 @!p0 $0x88, s6;
	s7 =	simm.s32 @p2 $0x1082  }
0x22: {  	[simem:s7], [sflag:s8] =	dma.local @!p0 [hbm:s6], $0xF7A  }
0x23: {  	s9 =	sor.u32 $0xD0000000, s2;
	s6 =	simm.s32 $0x108;
	_ =	swait.ge @!p0 [sflag:s8], $0x0  }
0x24: {  	s3 =	sadd.s32 $0x88, s3;
	s6 =	simm.s32 @!p1 $0x1082;
	[sflag:s4] =	ssyncset.s32 $0xFFFFF086  }
0x25: {  	[simem:s6], [sflag:s4] =	dma.local [hbm:s3], $0xF7A  }
0x26: {  	[smem:$0x3F91] =	sst s1;
	(tag) =	ssettag s2;
	_ =	strace s9  }
0x27: {  	s1 =	sld [smem:$0x3FA1]  }
0x28: {  	s2 =	sld [smem:$0x3FA2]  }
0x29: {  	s4 =	sld [smem:$0x3FA4]  }
0x2a: {  	p0 =	seq.s32 s5, $0x0;
	s5 =	sld [smem:$0x3FA5]  }
0x2b: {  	s6 =	sld [smem:$0x3FA6]  }
0x2c: {  	s7 =	sld [smem:$0x3FA7]  }
0x2d: {  	s3 =	simm.s32 $0x108;
	s8 =	sld [smem:$0x3FA8]  }
0x2e: {  	s3 =	simm.s32 @!p0 $0x1082;
	s9 =	sld [smem:$0x3FA9]  }
0x2f: {  	lr =	sadd.s32 s0, s3;
	s0 =	sld [smem:$0x3FA0]  }
0x30: {  	s3 =	sld [smem:$0x3FA3]  }
0x31: {  	[smem:$0x3FAC] =	sst s10  }
0x32: {  	s10 =	sld [smem:$0x3FAA];
	_ =	sdelay $0x3  }
0x33: {  	p0 =	seq.s32 s10, $0x1;
	s10 =	sld [smem:$0x3FAC];
	_ =	sdelay $0x3  }
0x34: {  	[smem:$0x3FAC] =	sst s10  }
0x35: {  	s10 =	sld [smem:$0x3FAB];
	_ =	sdelay $0x3  }
0x36: {  	p1 =	seq.s32 s10, $0x1;
	s10 =	sld [smem:$0x3FAC];
	_ =	sdelay $0x3  }
0x37: {  	[smem:$0x3FAC] =	sst s10  }
0x38: {  	s10 =	sld [smem:$0x3FAD]  }
0x39: {  	_ = 	snop;
	(pc) =	sbr.ind lr, $3  }
0x3a: {  	_ = 	snop  }
0x3b: {  	_ = 	snop  }
0x3c: {  	p2 =	seq.s32 s10, $0x1;
	s10 =	sld [smem:$0x3FAC]  }
0x3d: {  	_ =	shalt  }
0x3e: {  	_ =	shalt  }
0x3f: {  	_ =	shalt  }
0x40: {  	_ =	shalt  }
0x41: {  	_ =	shalt  }
0x42: {  	_ =	shalt  }
0x43: {  	_ =	shalt  }
0x44: {  	_ =	shalt  }
0x45: {  	_ =	shalt  }
0x46: {  	_ =	shalt  }
0x47: {  	_ =	shalt  }
0x48: {  	_ =	shalt  }
0x49: {  	_ =	shalt  }
0x4a: {  	_ =	shalt  }
0x4b: {  	_ =	shalt  }
0x4c: {  	_ =	shalt  }
0x4d: {  	_ =	shalt  }
0x4e: {  	_ =	shalt  }
0x4f: {  	_ =	shalt  }
0x50: {  	_ =	shalt  }
0x51: {  	_ =	shalt  }
0x52: {  	_ =	shalt  }
0x53: {  	_ =	shalt  }
0x54: {  	_ =	shalt  }
0x55: {  	_ =	shalt  }
0x56: {  	_ =	shalt  }
0x57: {  	_ =	shalt  }
0x58: {  	_ =	shalt  }
0x59: {  	_ =	shalt  }
0x5a: {  	_ =	shalt  }
0x5b: {  	_ =	shalt  }
0x5c: {  	_ =	shalt  }
0x5d: {  	_ =	shalt  }
0x5e: {  	_ =	shalt  }
0x5f: {  	_ =	shalt  }
0x60: {  	_ =	shalt  }
0x61: {  	_ =	shalt  }
0x62: {  	_ =	shalt  }
0x63: {  	_ =	shalt  }
0x64: {  	_ =	shalt  }
0x65: {  	_ =	shalt  }
0x66: {  	_ =	shalt  }
0x67: {  	_ =	shalt  }
0x68: {  	_ =	shalt  }
0x69: {  	_ =	shalt  }
0x6a: {  	_ =	shalt  }
0x6b: {  	_ =	shalt  }
0x6c: {  	_ =	shalt  }
0x6d: {  	_ =	shalt  }
0x6e: {  	_ =	shalt  }
0x6f: {  	_ =	shalt  }
0x70: {  	_ =	shalt  }
0x71: {  	_ =	shalt  }
0x72: {  	_ =	shalt  }
0x73: {  	_ =	shalt  }
0x74: {  	_ =	shalt  }
0x75: {  	_ =	shalt  }
0x76: {  	_ =	shalt  }
0x77: {  	_ =	shalt  }
0x78: {  	_ =	shalt  }
0x79: {  	_ =	shalt  }
0x7a: {  	_ =	shalt  }
0x7b: {  	_ =	shalt  }
0x7c: {  	_ =	shalt  }
0x7d: {  	_ =	shalt  }
0x7e: {  	_ =	shalt  }
0x7f: {  	_ =	shalt  }
0x80: {  	_ =	shalt  }
0x81: {  	_ =	shalt  }
0x82: {  	_ =	shalt  }
0x83: {  	_ =	shalt  }
0x84: {  	_ =	shalt  }
0x85: {  	_ =	shalt  }
0x86: {  	_ =	shalt  }
0x87: {  	_ =	shalt  }
.Lfunc_end0:
.L_simem_size_0:
called_computation_lowered:
.L_overlay_start_0:
0x88: {  	s2 =	sld [smem:$0x3FD9]  }
0x89: {  	s3 =	sld [smem:$0x3FFE];
	_ =	sdelay $0x1  }
0x8a: {  	s1 =	srdreg.scid  }
0x8b: {  	s0 =	sand.u32 $0x1, s1  }
0x8c: {  	s17 =	sshll.u32 s0, $0xA;
	s2 =	sadd.s32 s3, s2  }
0x8d: {  	s2 =	sadd.s32 s2, s17  }
0x8e: {  	[smem:$0x3FB8] =	sst s2  }
0x8f: {  	_ = 	snop  }
0x90: {  	s2 =	sld [smem:$0x3FD0];
	(tm) =	ssettm $0x1  }
0x91: {  	s18 =	sld [smem:$0x3FFB];
	_ =	sdelay $0x3  }
0x92: {  	_ =	strace s18  }
0x93: {  	s3 =	sld [smem:$0x3FFC];
	_ =	sdelay $0x3  }
0x94: {  	_ =	strace s3  }
0x95: {  	s3 =	sld [smem:$0x3FFD];
	_ =	sdelay $0x3  }
0x96: {  	_ =	strace s3  }
0x97: {  	_ =	strace $0x8FFFFFFF  }
0x98: {  	s19 =	sld [smem:$0x3FDB];
	_ =	sdelay $0x1  }
0x99: {  	s4 =	simm.s32 $_scs_section_size  }
0x9a: {  	s5 =	simm.s32 $_size__tile_overlayer_lowered;
	s6 =	simm.s32 $_tile_overlayer_lowered  }
0x9b: {  	s22 =	simm.s32 $0x1BFF;
	s21 =	sshll.u32 s6, $0x1;
	s3 =	sadd.s32 s4, s19  }
0x9c: {  	s7 =	simm.s32 $0x0;
	s20 =	sshll.u32 s5, $0x1;
	s5 =	sadd.s32 s21, s3  }
0x9d: {  	[timem:s7], [sflag:s22] =	dma.local [hbm:s5], s20  }
0x9e: {  	_ =	swait.ge [sflag:s22], s20  }
0x9f: {  	s4 =	ssub.s32 $0x0, s20;
	[sflag:s22] =	ssyncset.done $0x0  }
0xa0: {  	[sflag:s22] =	ssyncadd.s32 s4;
	_ =	sdelay $0x1  }
0xa1: {  	s23 =	simm.s32 $0x1B8B  }
0xa2: {  	_ =	swait.ge [sflag:s23], $0x1  }
0xa3: {  	[sflag:s23] =	ssyncset.done $0x0  }
0xa4: {  	s25 =	simm.s32 $0x1B8E;
	s24 =	sld [smem:$0x3FFE];
	[sflag:s23] =	ssyncadd.s32 $0xFFFFFFFF  }
0xa5: {  	s26 =	simm.s32 $execute0_lowered;
	[smem:$0x3FD2] =	sst s25  }
0xa6: {  	s5 =	sshll.u32 s26, $0x1;
	_ =	strace $0x80000046;
	[dreg:$0x1] =	wrdreg $0xFFFFFFFF  }
0xa7: {  	s28 =	simm.s32 $_size_execute0_lowered;
	s3 =	sadd.s32 s3, s5;
	[dreg:$0x0] =	wrdreg $0x0  }
0xa8: {  	s5 =	sshll.u32 s28, $0x1;
	[dreg:$0x2] =	wrdreg s3  }
0xa9: {  	[dreg:$0x3] =	wrdreg s5  }
0xaa: {  	[dreg:$0x4] =	wrdreg $0xC0  }
0xab: {  	_ =	task [dreg:s7], $0x5FFFF  }
0xac: {  	[dreg:$0x1] =	wrdreg $0xFFFFFFFF  }
0xad: {  	[dreg:$0x0] =	wrdreg $0x60  }
0xae: {  	[dreg:$0x2] =	wrdreg s2  }
0xaf: {  	[dreg:$0x3] =	wrdreg s24  }
0xb0: {  	[dreg:$0x4] =	wrdreg $0x9  }
0xb1: {  	_ =	task.clear_ibuf [dreg:s7], $0x5FFFF;
	_ =	strace $0x90000046  }
0xb2: {  	s29 =	simm.s32 $0x9;
	_ =	strace $0x80000048  }
0xb3: {  	_ =	swait.ge [sflag:s29], $0x1  }
0xb4: {  	[sflag:s29] =	ssyncadd.s32 $0xFFFFFFFF  }
0xb5: {  	_ =	strace $0x90000048  }
0xb6: {  	_ =	sfence  }
0xb7: {  	s30 =	sld [smem:$0x0];
	_ =	sdelay $0x2  }
0xb8: {  	s31 =	sshll.u32 s1, $0xD;
	s1 =	sshrl.u32 s1, $0x2  }
0xb9: {  	s3 =	sand.u32 $0x4000, s31;
	s1 =	sadd.s32 s1, s30  }
0xba: {  	s0 =	sor.u32 s3, s0;
	s1 =	sshll.u32 s1, $0x11  }
0xbb: {  	s0 =	sor.u32 s1, s0  }
0xbc: {  	s0 =	sadd.s32 $0x8F2B, s0  }
0xbd: {  	[sflag:s0] =	ssyncadd.remote.s32 $0x1  }
0xbe: {  	_ =	sfence.sel $0xFFFF  }
0xbf: {  	[dreg:$0x0] =	wrdreg $0xFFFFFFFF;
	(pc) =	sbr.abs _section_cstart, $3  }
0xc0: {  	[dreg:$0x1] =	wrdreg $0xFFFFFFFF  }
0xc1: {  	_ =	task.clear_ibuf [dreg:s7], $0x2FFFF;
	_ =	strace $0x9FFFFFFF  }
0xc2: {  	(tm) =	ssettm $0x7FFFFFFF  }
0xc3: {  	_ =	shalt  }
tec
execute0_lowered:
.L_overlay_start_1:
0x0: {  	(tag) =	ssettag $0x1  }
0x1: {  	s1 =	srdreg.scid;
	s2 =	rddreg [dreg:$0x0]  }
0x2: {  	s0 =	stileid.u32;
	s5 =	rddreg [dreg:$0x1];
	s3 =	simm.s32 $0x0  }
0x3: {  	s15 =	simm.s32 $0x6590;
	s16 =	simm.s32 $0x1;
	s17 =	simm.s32 $0x2  }
0x4: {  	s18 =	simm.s32 $0x0;
	s8 =	sand.u32 $0x1, s1;
	s10 =	smul.u32 $0x2710, s0  }
0x5: {  	s24 =	sshll.u32 s0, $0x1;
	s1 =	rddreg [dreg:$0x2];
	s30 =	smul.u32 $0x27100, s0  }
0x6: {  	[smem:$0x7FF] =	sst s3;
	s13 =	sadd.s32 $0x8A00, s5;
	s12 =	smul.u32 $0x1388, s8  }
0x7: {  	s4 =	sor.u32 s8, s24;
	s9 =	ssub.s32 $0x2, s8;
	s14 =	smul.u32 $0x13880, s8  }
0x8: {  	_ =	strace $0x80000047;
	s6 =	smul.u32 $0x1388, s4;
	s11 =	sshrl.u32 s9, $0x1  }
0x9: {  	s7 =	smul.u32 $0x9C400, s4;
	s4 =	sadd.s32 $0x3A00, s5;
	s9 =	ssub.s32 s9, s11  }
0xa: {  	s10 =	sadd.s32 s12, s10;
	s12 =	sadd.s32 s30, s13;
	s25 =	sshrl.u32 s6, $0x3  }
0xb: {  	s26 =	sshrl.u32 s7, $0x3;
	s28 =	sadd.s32 $0xC8, s10;
	s7 =	smax.u32 s9, $0x1  }
0xc: {  	s8 =	sadd.s32 $0x190, s10;
	s11 =	sadd.s32 s14, s12;
	s12 =	simm.s32 $0x3  }
0xd: {  	s14 =	simm.s32 $0x190;
	s6 =	sadd.s32 s13, s26;
	s29 =	sshrl.u32 s28, $0x3  }
0xe: {  	s5 =	sadd.s32 s4, s25;
	s6 =	sadd.s32 $0x12C00, s6;
	s31 =	sshll.u32 s29, $0x7  }
0xf: {  	s10 =	sadd.s32 s29, s4;
	s9 =	sadd.s32 s31, s13;
	s13 =	simm.s32 $0xC8  }
.LBB2_1:
0x10: {  	[tilespmem:s3], [sflag:$0x3] =	stream.linear.gather [hbm4b:s5+s3], $0xC8, $0x38;
	[tilespmem:$0xC990] =	vst v63  }
0x11: {  	_ =	swait.ge [sflag:s12], $0xC8  }
0x12: {  	[sflag:s12] =	ssyncset.done $0x0  }
0x13: {  	[sflag:s12] =	ssyncadd.s32 $0xFFFFFF38  }
0x14: {  	[tilespmem:s14], [sflag:$0x1] =	stream.indirect.gather [hbm4b:s2+s13], $0x80, s3, s13, $0xb8;
	[tilespmem:$0xC990] =	vst v63  }
0x15: {  	_ = 	snop  }
0x16: {  	[tilespmem:s13], [sflag:$0x3] =	stream.linear.gather [hbm4b:s10+s3], $0xC8, $0x38;
	[tilespmem:$0xC990] =	vst v63  }
0x17: {  	_ =	swait.ge [sflag:s12], $0xC8  }
0x18: {  	[sflag:s12] =	ssyncset.done $0x0  }
0x19: {  	[sflag:s12] =	ssyncadd.s32 $0xFFFFFF38  }
0x1a: {  	[tilespmem:s15], [sflag:$0x2] =	stream.indirect.gather [hbm4b:s2+s13], $0x80, s13, s13, $0xb8;
	[tilespmem:$0xC990] =	vst v63  }
0x1b: {  	_ =	swait.ge [sflag:s16], $0x6400  }
0x1c: {  	[sflag:s16] =	ssyncset.done $0x0  }
0x1d: {  	s19 =	sadd.s32 $0x0, s11;
	[sflag:s16] =	ssyncadd.s32 $0xFFFF9C00  }
0x1e: {  	[hbm4b:s19+s3] =	stream.linear.scatter [tilespmem:s14], [sflag:$0x3], $0x6400, $0x38;
	[tilespmem:$0xC990] =	vst v63  }
0x1f: {  	_ =	swait.ge [sflag:s12], $0x6400  }
0x20: {  	s30 =	sshrl.u32 s8, $0x3;
	[sflag:s12] =	ssyncset.done $0x0  }
0x21: {  	s19 =	sadd.s32 s4, s30;
	[sflag:s12] =	ssyncadd.s32 $0xFFFF9C00  }
0x22: {  	[tilespmem:s3], [sflag:$0x3] =	stream.linear.gather [hbm4b:s19+s3], $0xC8, $0x38;
	[tilespmem:$0xC990] =	vst v63  }
0x23: {  	_ =	swait.ge [sflag:s12], $0xC8  }
0x24: {  	[sflag:s12] =	ssyncset.done $0x0  }
0x25: {  	[sflag:s12] =	ssyncadd.s32 $0xFFFFFF38  }
0x26: {  	[tilespmem:s14], [sflag:$0x1] =	stream.indirect.gather [hbm4b:s2+s13], $0x80, s3, s13, $0xb8;
	[tilespmem:$0xC990] =	vst v63  }
0x27: {  	_ =	swait.ge [sflag:s17], $0x6400  }
0x28: {  	[sflag:s17] =	ssyncset.done $0x0  }
0x29: {  	s31 =	sadd.s32 $0x0, s9;
	[sflag:s17] =	ssyncadd.s32 $0xFFFF9C00  }
0x2a: {  	[hbm4b:s31+s3] =	stream.linear.scatter [tilespmem:s15], [sflag:$0x3], $0x6400, $0x38;
	[tilespmem:$0xC990] =	vst v63  }
0x2b: {  	s20 =	smov.u32 s8;
	_ =	swait.ge [sflag:s12], $0x6400  }
0x2c: {  	s21 =	smov.u32 s10;
	s19 =	simm.s32 $0x1900;
	[sflag:s12] =	ssyncset.done $0x0  }
.LBB2_2:
0x2d: {  	[sflag:s12] =	ssyncadd.s32 $0xFFFF9C00  }
0x2e: {  	s20 =	sadd.s32 $0x190, s20;
	s21 =	sadd.s32 $0x32, s21;
	s22 =	smov.u32 s19  }
0x2f: {  	[tilespmem:s13], [sflag:$0x3] =	stream.linear.gather [hbm4b:s21+s3], $0xC8, $0x38;
	[tilespmem:$0xC990] =	vst v63  }
0x30: {  	p0 =	sne.s32 s19, $0x11300;
	s19 =	sadd.s32 $0x1900, s19;
	_ =	swait.ge [sflag:s12], $0xC8  }
0x31: {  	[sflag:s12] =	ssyncset.done $0x0  }
0x32: {  	[sflag:s12] =	ssyncadd.s32 $0xFFFFFF38  }
0x33: {  	[tilespmem:s15], [sflag:$0x2] =	stream.indirect.gather [hbm4b:s2+s13], $0x80, s13, s13, $0xb8;
	[tilespmem:$0xC990] =	vst v63  }
0x34: {  	_ =	swait.ge [sflag:s16], $0x6400  }
0x35: {  	[sflag:s16] =	ssyncset.done $0x0  }
0x36: {  	s23 =	sadd.s32 s22, s11;
	[sflag:s16] =	ssyncadd.s32 $0xFFFF9C00  }
0x37: {  	[hbm4b:s23+s3] =	stream.linear.scatter [tilespmem:s14], [sflag:$0x3], $0x6400, $0x38;
	[tilespmem:$0xC990] =	vst v63  }
0x38: {  	_ =	swait.ge [sflag:s12], $0x6400  }
0x39: {  	s23 =	sshrl.u32 s20, $0x3;
	[sflag:s12] =	ssyncset.done $0x0  }
0x3a: {  	s23 =	sadd.s32 s4, s23;
	[sflag:s12] =	ssyncadd.s32 $0xFFFF9C00  }
0x3b: {  	[tilespmem:s3], [sflag:$0x3] =	stream.linear.gather [hbm4b:s23+s3], $0xC8, $0x38;
	[tilespmem:$0xC990] =	vst v63  }
0x3c: {  	_ =	swait.ge [sflag:s12], $0xC8  }
0x3d: {  	[sflag:s12] =	ssyncset.done $0x0  }
0x3e: {  	[sflag:s12] =	ssyncadd.s32 $0xFFFFFF38  }
0x3f: {  	[tilespmem:s14], [sflag:$0x1] =	stream.indirect.gather [hbm4b:s2+s13], $0x80, s3, s13, $0xb8;
	[tilespmem:$0xC990] =	vst v63  }
0x40: {  	_ =	swait.ge [sflag:s17], $0x6400  }
.Ltmp0:
0x41: {  	[sflag:s17] =	ssyncset.done $0x0;
	(pc) =	sbr.rel @p0 .LBB2_2-.Ltmp0, $4  }
0x42: {  	s22 =	sadd.s32 s22, s9;
	[sflag:s17] =	ssyncadd.s32 $0xFFFF9C00  }
0x43: {  	[hbm4b:s22+s3] =	stream.linear.scatter [tilespmem:s15], [sflag:$0x3], $0x6400, $0x38;
	[tilespmem:$0xC990] =	vst v63  }
0x44: {  	_ =	swait.ge [sflag:s12], $0x6400  }
0x45: {  	[sflag:s12] =	ssyncset.done $0x0  }
0x46: {  	[sflag:s12] =	ssyncadd.s32 $0xFFFF9C00  }
0x47: {  	s18 =	sadd.s32 $0x1, s18;
	_ =	swait.ge [sflag:s16], $0x6400  }
0x48: {  	p0 =	sne.s32 s18, s7;
	[sflag:s16] =	ssyncset.done $0x0  }
.Ltmp1:
0x49: {  	[sflag:s16] =	ssyncadd.s32 $0xFFFF9C00;
	(pc) =	sbr.rel @p0 .LBB2_1-.Ltmp1, $4  }
0x4a: {  	[hbm4b:s6+s3] =	stream.linear.scatter [tilespmem:s14], [sflag:$0x3], $0x6400, $0x38;
	[tilespmem:$0xC990] =	vst v63  }
0x4b: {  	_ =	swait.ge [sflag:s12], $0x6400  }
0x4c: {  	[sflag:s12] =	ssyncset.done $0x0  }
0x4d: {  	[sflag:s12] =	ssyncadd.s32 $0xFFFF9C00  }
0x4e: {  	_ =	sfence.sel $0x180000  }
0x4f: {  	[bflag:$0x0] =	sbarrier.arrive $0xFFFF  }
0x50: {  	p0 =	sne.s32 s0, $0x0;
	_ =	strace $0x90000047  }
0x51: {  	s0 =	sadd.s32 @!p0 $0x100000, s1;
	[bflag:$0x2] =	sbarrier.arrive $0xFFFF  }
0x52: {  	[sflag:s0] =	ssyncadd.tile.s32 @!p0 $0x1;
	_ =	shalt  }
.Lfunc_end2:
_tile_overlayer_lowered:
.L_overlay_start_2:
0x53: {  	(tag) =	ssettag $0x2  }
0x54: {  	s0 =	rddreg [dreg:$0x0];
	s2 =	stileid.u32  }
0x55: {  	s1 =	rddreg [dreg:$0x1];
	p0 =	sne.s32 s2, $0x0  }
0x56: {  	s3 =	rddreg [dreg:$0x2];
	[bflag:$0x3] =	sbarrier.arrive $0xFFFF;
	s2 =	simm.s32 @!p0 $0x1C03  }
0x57: {  	[timem:s3], [sflag:s2] =	dma.local @!p0 [hbm:s0], s1  }
0x58: {  	s0 =	simm.s32 @!p0 $0x3  }
0x59: {  	_ =	swait.ge @!p0 [sflag:s0], s1  }
0x5a: {  	s1 =	ssub.s32 @!p0 $0x0, s1;
	[sflag:s0] =	ssyncset.done @!p0 $0x0  }
0x5b: {  	[sflag:s0] =	ssyncadd.s32 @!p0 s1  }
0x5c: {  	[bflag:$0x3] =	sbarrier.arrive $0xFFFF  }
0x5d: {  	_ =	shalt  }

</sc_bundles>
